<compile_context>
chip_gen: v7x
topology: tpu7x:2x2x1
jax: 0.10.2.dev20260603
libtpu: 0.0.44.dev20260713+nightly
codegen_flags: <defaults>
</compile_context>

<pallas_src>
import functools

import jax
import jax.numpy as jnp
from jax import lax
from jax.experimental import pallas as pl
from jax.experimental.pallas import tpu as pltpu
from jax.experimental.pallas import tpu_sc as plsc

EMBED_DIM = 64
IDX_PER_GATHER = 128
IB = 5
NBUF = 2


@functools.cache
def _build(B: int, D: int):
    info = plsc.get_sparse_core_info()
    NC, NS = info.num_cores, info.num_subcores
    NW = NC * NS
    rows_per_w = B // NW
    C = IB * IDX_PER_GATHER
    n_blocks = rows_per_w // C
    irows_per_w = rows_per_w // IDX_PER_GATHER
    assert rows_per_w % C == 0 and n_blocks % NBUF == 0
    assert B % (NW * IDX_PER_GATHER) == 0

    mesh = plsc.VectorSubcoreMesh(core_axis_name="c", subcore_axis_name="s")

    @functools.partial(
        pl.kernel,
        mesh=mesh,
        compiler_params=pltpu.CompilerParams(use_tc_tiling_on_sc=False),
        out_type=jax.ShapeDtypeStruct((B, D), jnp.float32),
        scratch_types=[
            pltpu.VMEM((irows_per_w, IDX_PER_GATHER), jnp.int32),
            pltpu.VMEM((NBUF, C, D), jnp.float32),
            pltpu.SemaphoreType.DMA((NBUF,)),
            pltpu.SemaphoreType.DMA((NBUF,)),
            pltpu.SemaphoreType.DMA,
        ],
    )
    def k(idx_hbm, table_hbm, out_hbm, idx_v, rows_v, gsem, osem, isem):
        wid = lax.axis_index("s") * NC + lax.axis_index("c")
        irow0 = wid * irows_per_w

        pltpu.async_copy(
            idx_hbm.at[pl.ds(irow0, irows_per_w)], idx_v, isem
        ).wait()

        def fire_g(g, s):
            for j in range(IB):
                pltpu.async_copy(
                    table_hbm.at[idx_v.at[g * IB + j]],
                    rows_v.at[s, pl.ds(j * IDX_PER_GATHER, IDX_PER_GATHER)],
                    gsem.at[s],
                )

        def drain_g(g, s):
            for j in range(IB):
                pltpu.make_async_copy(
                    table_hbm.at[idx_v.at[g * IB + j]],
                    rows_v.at[s, pl.ds(j * IDX_PER_GATHER, IDX_PER_GATHER)],
                    gsem.at[s],
                ).wait()

        def out_desc(g, s):
            return pltpu.make_async_copy(
                rows_v.at[s],
                out_hbm.at[pl.ds((irow0 + g * IB) * IDX_PER_GATHER, C)],
                osem.at[s],
            )

        fire_g(0, 0)
        fire_g(1, 1)
        drain_g(0, 0)
        out_desc(0, 0).start()

        @pl.loop(1, n_blocks - 1, step=NBUF)
        def _(g0):
            for b in range(NBUF):
                g = g0 + b
                s = (1 + b) % NBUF
                o = (s + 1) % NBUF
                out_desc_prev = pltpu.make_async_copy(
                    rows_v.at[o],
                    out_hbm.at[
                        pl.ds((irow0 + (g - 1) * IB) * IDX_PER_GATHER, C)
                    ],
                    osem.at[o],
                )
                out_desc_prev.wait()
                fire_g(g + 1, o)
                drain_g(g, s)
                out_desc(g, s).start()

        drain_g(n_blocks - 1, 1)
        out_desc(n_blocks - 1, 1).start()
        out_desc(n_blocks - 2, 0).wait()
        out_desc(n_blocks - 1, 1).wait()

    return k


def kernel(token_ids, w):
    B = token_ids.size
    D = w.shape[-1]
    idx2d = token_ids.reshape(B // IDX_PER_GATHER, IDX_PER_GATHER).astype(jnp.int32)
    out = _build(B, D)(idx2d, w)
    return out.reshape(token_ids.shape + (D,))

# --- scband reference (transcript-rebuilt; emitter-appended) ---
"""Pipeline reference for scband-embedding-layer-7181185319617 (READ-ONLY COPY).

The authoritative reference and input builder live on the scoring server;
editing this copy changes nothing except your own understanding.
"""

import jax, jax.numpy as jnp
import numpy as np

NUM_EMBEDDINGS = 1000000
EMBEDDING_DIM = 64

def setup_inputs(seed: int = 0) -> dict:
    key = jax.random.key(seed)
    k_idx, k_w = jax.random.split(key)
    token_ids = jax.random.randint(k_idx, (16384, 50), 0, NUM_EMBEDDINGS, dtype=jnp.int64 if jax.config.jax_enable_x64 else jnp.int32)
    w = jax.random.normal(k_w, (NUM_EMBEDDINGS, EMBEDDING_DIM), dtype=jnp.float32)
    return {"token_ids": token_ids, "w": w}

def reference(token_ids, w):
    # Faithful translation of self.w[token_ids]
    return jnp.take(w, token_ids, axis=0)

if __name__ == "__main__":
    import jax
    _d = setup_inputs()
    print(jax.jit(kernel)(*tuple(_d.values())))

</pallas_src>

<mosaic_0001>
#map = affine_map<(d0, d1) -> (0, 0)>
module attributes {stable_mosaic.version = 14 : i64} {
  func.func @k(%arg0: i32, %arg1: i32, %arg2: memref<6400x128xi32, #tpu.memory_space<hbm>>, %arg3: memref<1000000x64xf32, #tpu.memory_space<hbm>>, %arg4: memref<819200x64xf32, #tpu.memory_space<hbm>>, %arg5: memref<200x128xi32, #tpu.memory_space<vmem>>, %arg6: memref<2x640x64xf32, #tpu.memory_space<vmem>>, %arg7: memref<2x!tpu.dma_semaphore, #tpu.memory_space<semaphore_mem>>, %arg8: memref<2x!tpu.dma_semaphore, #tpu.memory_space<semaphore_mem>>, %arg9: memref<!tpu.dma_semaphore, #tpu.memory_space<semaphore_mem>>) attributes {dimension_semantics = [#tpu.dimension_semantics<core_parallel>, #tpu.dimension_semantics<subcore_parallel>], iteration_bounds = array<i64: 2, 16>, scalar_prefetch = 0 : i64, scratch_operands = 5 : i64, tpu.core_type = #tpu.core_type<sc_vector_subcore>, window_params = [{transform_indices = #map}, {transform_indices = #map}, {transform_indices = #map}]} {
    %mul3A = arith.constant 2 : i32
    %mul3A_0 = arith.muli %arg1, %mul3A : i32
    %add3A = arith.addi %mul3A_0, %arg0 : i32
    %mul3A_1 = arith.constant 200 : i32
    %mul3A_2 = arith.muli %add3A, %mul3A_1 : i32
    %dma_start3A = arith.constant 0 : i32
    %dma_start3A_3 = tpu.memref_slice %arg2[%mul3A_2, %dma_start3A] : memref<6400x128xi32, #tpu.memory_space<hbm>> -> memref<200x128xi32, #tpu.memory_space<hbm>>
    %dma_start3A_4 = arith.constant 0 : i32
    %dma_start3A_5 = tpu.memref_slice %arg2[%mul3A_2, %dma_start3A_4] : memref<6400x128xi32, #tpu.memory_space<hbm>> -> memref<200x128xi32, #tpu.memory_space<hbm>>
    tpu.enqueue_dma source(%dma_start3A_5 : memref<200x128xi32, #tpu.memory_space<hbm>>) target(%arg5 : memref<200x128xi32, #tpu.memory_space<vmem>>) target_semaphore(%arg9 : memref<!tpu.dma_semaphore, #tpu.memory_space<semaphore_mem>>)
    %dma_wait3A = arith.constant 0 : i32
    %dma_wait3A_6 = tpu.memref_slice %arg2[%mul3A_2, %dma_wait3A] : memref<6400x128xi32, #tpu.memory_space<hbm>> -> memref<200x128xi32, #tpu.memory_space<hbm>>
    %dma_wait3A_7 = arith.constant 0 : i32
    %dma_wait3A_8 = tpu.memref_slice %arg2[%mul3A_2, %dma_wait3A_7] : memref<6400x128xi32, #tpu.memory_space<hbm>> -> memref<200x128xi32, #tpu.memory_space<hbm>>
    tpu.wait_dma2 semaphore(%arg9 : memref<!tpu.dma_semaphore, #tpu.memory_space<semaphore_mem>>) src(%dma_wait3A_8 : memref<200x128xi32, #tpu.memory_space<hbm>>) dst(%arg5 : memref<200x128xi32, #tpu.memory_space<vmem>>)
    %dma_start3A_9 = arith.constant 0 : i32
    %dma_start3A_10 = arith.constant 0 : i32
    %dma_start3A_11 = arith.constant 0 : i32
    %dma_start3A_12 = arith.constant 0 : i32
    %dma_start3A_13 = arith.constant 0 : i32
    %dma_start3A_14 = tpu.memref_slice %arg6[%dma_start3A_10, %dma_start3A_12, %dma_start3A_13] : memref<2x640x64xf32, #tpu.memory_space<vmem>> -> memref<1x128x64xf32, #tpu.memory_space<vmem>>
    %dma_start3A_15 = tpu.memref_squeeze %dma_start3A_14 : memref<1x128x64xf32, #tpu.memory_space<vmem>> -> memref<128x64xf32, #tpu.memory_space<vmem>>
    %dma_start3A_16 = arith.constant 0 : i32
    %dma_start3A_17 = tpu.memref_slice %arg5[%dma_start3A_9, %dma_start3A_16] : memref<200x128xi32, #tpu.memory_space<vmem>> -> memref<1x128xi32, #tpu.memory_space<vmem>>
    %dma_start3A_18 = tpu.memref_squeeze %dma_start3A_17 : memref<1x128xi32, #tpu.memory_space<vmem>> -> memref<128xi32, #tpu.memory_space<vmem>>
    %dma_start3A_19 = arith.constant 0 : i32
    %dma_start3A_20 = arith.constant 0 : i32
    %dma_start3A_21 = tpu.memref_slice %arg3[%dma_start3A_19, %dma_start3A_20] : memref<1000000x64xf32, #tpu.memory_space<hbm>> -> memref<1000000x64xf32, #tpu.memory_space<hbm>>
    %dma_start3A_22 = tpu.memref_slice %arg7[%dma_start3A_11] : memref<2x!tpu.dma_semaphore, #tpu.memory_space<semaphore_mem>> -> memref<1x!tpu.dma_semaphore, #tpu.memory_space<semaphore_mem>>
    %dma_start3A_23 = tpu.memref_squeeze %dma_start3A_22 : memref<1x!tpu.dma_semaphore, #tpu.memory_space<semaphore_mem>> -> memref<!tpu.dma_semaphore, #tpu.memory_space<semaphore_mem>>
    tpu.enqueue_indirect_dma source(%dma_start3A_21 : memref<1000000x64xf32, #tpu.memory_space<hbm>>) target(%dma_start3A_15 : memref<128x64xf32, #tpu.memory_space<vmem>>) offsets(%dma_start3A_18 : memref<128xi32, #tpu.memory_space<vmem>>) semaphore(%dma_start3A_23 : memref<!tpu.dma_semaphore, #tpu.memory_space<semaphore_mem>>)
    %dma_start3A_24 = arith.constant 1 : i32
    %dma_start3A_25 = arith.constant 0 : i32
    %dma_start3A_26 = arith.constant 0 : i32
    %dma_start3A_27 = arith.constant 128 : i32
    %dma_start3A_28 = arith.constant 0 : i32
    %dma_start3A_29 = tpu.memref_slice %arg6[%dma_start3A_25, %dma_start3A_27, %dma_start3A_28] : memref<2x640x64xf32, #tpu.memory_space<vmem>> -> memref<1x128x64xf32, #tpu.memory_space<vmem>>
    %dma_start3A_30 = tpu.memref_squeeze %dma_start3A_29 : memref<1x128x64xf32, #tpu.memory_space<vmem>> -> memref<128x64xf32, #tpu.memory_space<vmem>>
    %dma_start3A_31 = arith.constant 0 : i32
    %dma_start3A_32 = tpu.memref_slice %arg5[%dma_start3A_24, %dma_start3A_31] : memref<200x128xi32, #tpu.memory_space<vmem>> -> memref<1x128xi32, #tpu.memory_space<vmem>>
    %dma_start3A_33 = tpu.memref_squeeze %dma_start3A_32 : memref<1x128xi32, #tpu.memory_space<vmem>> -> memref<128xi32, #tpu.memory_space<vmem>>
    %dma_start3A_34 = arith.constant 0 : i32
    %dma_start3A_35 = arith.constant 0 : i32
    %dma_start3A_36 = tpu.memref_slice %arg3[%dma_start3A_34, %dma_start3A_35] : memref<1000000x64xf32, #tpu.memory_space<hbm>> -> memref<1000000x64xf32, #tpu.memory_space<hbm>>
    %dma_start3A_37 = tpu.memref_slice %arg7[%dma_start3A_26] : memref<2x!tpu.dma_semaphore, #tpu.memory_space<semaphore_mem>> -> memref<1x!tpu.dma_semaphore, #tpu.memory_space<semaphore_mem>>
    %dma_start3A_38 = tpu.memref_squeeze %dma_start3A_37 : memref<1x!tpu.dma_semaphore, #tpu.memory_space<semaphore_mem>> -> memref<!tpu.dma_semaphore, #tpu.memory_space<semaphore_mem>>
    tpu.enqueue_indirect_dma source(%dma_start3A_36 : memref<1000000x64xf32, #tpu.memory_space<hbm>>) target(%dma_start3A_30 : memref<128x64xf32, #tpu.memory_space<vmem>>) offsets(%dma_start3A_33 : memref<128xi32, #tpu.memory_space<vmem>>) semaphore(%dma_start3A_38 : memref<!tpu.dma_semaphore, #tpu.memory_space<semaphore_mem>>)
    %dma_start3A_39 = arith.constant 2 : i32
    %dma_start3A_40 = arith.constant 0 : i32
    %dma_start3A_41 = arith.constant 0 : i32
    %dma_start3A_42 = arith.constant 256 : i32
    %dma_start3A_43 = arith.constant 0 : i32
    %dma_start3A_44 = tpu.memref_slice %arg6[%dma_start3A_40, %dma_start3A_42, %dma_start3A_43] : memref<2x640x64xf32, #tpu.memory_space<vmem>> -> memref<1x128x64xf32, #tpu.memory_space<vmem>>
    %dma_start3A_45 = tpu.memref_squeeze %dma_start3A_44 : memref<1x128x64xf32, #tpu.memory_space<vmem>> -> memref<128x64xf32, #tpu.memory_space<vmem>>
    %dma_start3A_46 = arith.constant 0 : i32
    %dma_start3A_47 = tpu.memref_slice %arg5[%dma_start3A_39, %dma_start3A_46] : memref<200x128xi32, #tpu.memory_space<vmem>> -> memref<1x128xi32, #tpu.memory_space<vmem>>
    %dma_start3A_48 = tpu.memref_squeeze %dma_start3A_47 : memref<1x128xi32, #tpu.memory_space<vmem>> -> memref<128xi32, #tpu.memory_space<vmem>>
    %dma_start3A_49 = arith.constant 0 : i32
    %dma_start3A_50 = arith.constant 0 : i32
    %dma_start3A_51 = tpu.memref_slice %arg3[%dma_start3A_49, %dma_start3A_50] : memref<1000000x64xf32, #tpu.memory_space<hbm>> -> memref<1000000x64xf32, #tpu.memory_space<hbm>>
    %dma_start3A_52 = tpu.memref_slice %arg7[%dma_start3A_41] : memref<2x!tpu.dma_semaphore, #tpu.memory_space<semaphore_mem>> -> memref<1x!tpu.dma_semaphore, #tpu.memory_space<semaphore_mem>>
    %dma_start3A_53 = tpu.memref_squeeze %dma_start3A_52 : memref<1x!tpu.dma_semaphore, #tpu.memory_space<semaphore_mem>> -> memref<!tpu.dma_semaphore, #tpu.memory_space<semaphore_mem>>
    tpu.enqueue_indirect_dma source(%dma_start3A_51 : memref<1000000x64xf32, #tpu.memory_space<hbm>>) target(%dma_start3A_45 : memref<128x64xf32, #tpu.memory_space<vmem>>) offsets(%dma_start3A_48 : memref<128xi32, #tpu.memory_space<vmem>>) semaphore(%dma_start3A_53 : memref<!tpu.dma_semaphore, #tpu.memory_space<semaphore_mem>>)
    %dma_start3A_54 = arith.constant 3 : i32
    %dma_start3A_55 = arith.constant 0 : i32
    %dma_start3A_56 = arith.constant 0 : i32
    %dma_start3A_57 = arith.constant 384 : i32
    %dma_start3A_58 = arith.constant 0 : i32
    %dma_start3A_59 = tpu.memref_slice %arg6[%dma_start3A_55, %dma_start3A_57, %dma_start3A_58] : memref<2x640x64xf32, #tpu.memory_space<vmem>> -> memref<1x128x64xf32, #tpu.memory_space<vmem>>
    %dma_start3A_60 = tpu.memref_squeeze %dma_start3A_59 : memref<1x128x64xf32, #tpu.memory_space<vmem>> -> memref<128x64xf32, #tpu.memory_space<vmem>>
    %dma_start3A_61 = arith.constant 0 : i32
    %dma_start3A_62 = tpu.memref_slice %arg5[%dma_start3A_54, %dma_start3A_61] : memref<200x128xi32, #tpu.memory_space<vmem>> -> memref<1x128xi32, #tpu.memory_space<vmem>>
    %dma_start3A_63 = tpu.memref_squeeze %dma_start3A_62 : memref<1x128xi32, #tpu.memory_space<vmem>> -> memref<128xi32, #tpu.memory_space<vmem>>
    %dma_start3A_64 = arith.constant 0 : i32
    %dma_start3A_65 = arith.constant 0 : i32
    %dma_start3A_66 = tpu.memref_slice %arg3[%dma_start3A_64, %dma_start3A_65] : memref<1000000x64xf32, #tpu.memory_space<hbm>> -> memref<1000000x64xf32, #tpu.memory_space<hbm>>
    %dma_start3A_67 = tpu.memref_slice %arg7[%dma_start3A_56] : memref<2x!tpu.dma_semaphore, #tpu.memory_space<semaphore_mem>> -> memref<1x!tpu.dma_semaphore, #tpu.memory_space<semaphore_mem>>
    %dma_start3A_68 = tpu.memref_squeeze %dma_start3A_67 : memref<1x!tpu.dma_semaphore, #tpu.memory_space<semaphore_mem>> -> memref<!tpu.dma_semaphore, #tpu.memory_space<semaphore_mem>>
    tpu.enqueue_indirect_dma source(%dma_start3A_66 : memref<1000000x64xf32, #tpu.memory_space<hbm>>) target(%dma_start3A_60 : memref<128x64xf32, #tpu.memory_space<vmem>>) offsets(%dma_start3A_63 : memref<128xi32, #tpu.memory_space<vmem>>) semaphore(%dma_start3A_68 : memref<!tpu.dma_semaphore, #tpu.memory_space<semaphore_mem>>)
    %dma_start3A_69 = arith.constant 4 : i32
    %dma_start3A_70 = arith.constant 0 : i32
    %dma_start3A_71 = arith.constant 0 : i32
    %dma_start3A_72 = arith.constant 512 : i32
    %dma_start3A_73 = arith.constant 0 : i32
    %dma_start3A_74 = tpu.memref_slice %arg6[%dma_start3A_70, %dma_start3A_72, %dma_start3A_73] : memref<2x640x64xf32, #tpu.memory_space<vmem>> -> memref<1x128x64xf32, #tpu.memory_space<vmem>>
    %dma_start3A_75 = tpu.memref_squeeze %dma_start3A_74 : memref<1x128x64xf32, #tpu.memory_space<vmem>> -> memref<128x64xf32, #tpu.memory_space<vmem>>
    %dma_start3A_76 = arith.constant 0 : i32
    %dma_start3A_77 = tpu.memref_slice %arg5[%dma_start3A_69, %dma_start3A_76] : memref<200x128xi32, #tpu.memory_space<vmem>> -> memref<1x128xi32, #tpu.memory_space<vmem>>
    %dma_start3A_78 = tpu.memref_squeeze %dma_start3A_77 : memref<1x128xi32, #tpu.memory_space<vmem>> -> memref<128xi32, #tpu.memory_space<vmem>>
    %dma_start3A_79 = arith.constant 0 : i32
    %dma_start3A_80 = arith.constant 0 : i32
    %dma_start3A_81 = tpu.memref_slice %arg3[%dma_start3A_79, %dma_start3A_80] : memref<1000000x64xf32, #tpu.memory_space<hbm>> -> memref<1000000x64xf32, #tpu.memory_space<hbm>>
    %dma_start3A_82 = tpu.memref_slice %arg7[%dma_start3A_71] : memref<2x!tpu.dma_semaphore, #tpu.memory_space<semaphore_mem>> -> memref<1x!tpu.dma_semaphore, #tpu.memory_space<semaphore_mem>>
    %dma_start3A_83 = tpu.memref_squeeze %dma_start3A_82 : memref<1x!tpu.dma_semaphore, #tpu.memory_space<semaphore_mem>> -> memref<!tpu.dma_semaphore, #tpu.memory_space<semaphore_mem>>
    tpu.enqueue_indirect_dma source(%dma_start3A_81 : memref<1000000x64xf32, #tpu.memory_space<hbm>>) target(%dma_start3A_75 : memref<128x64xf32, #tpu.memory_space<vmem>>) offsets(%dma_start3A_78 : memref<128xi32, #tpu.memory_space<vmem>>) semaphore(%dma_start3A_83 : memref<!tpu.dma_semaphore, #tpu.memory_space<semaphore_mem>>)
    %dma_start3A_84 = arith.constant 5 : i32
    %dma_start3A_85 = arith.constant 1 : i32
    %dma_start3A_86 = arith.constant 1 : i32
    %dma_start3A_87 = arith.constant 0 : i32
    %dma_start3A_88 = arith.constant 0 : i32
    %dma_start3A_89 = tpu.memref_slice %arg6[%dma_start3A_85, %dma_start3A_87, %dma_start3A_88] : memref<2x640x64xf32, #tpu.memory_space<vmem>> -> memref<1x128x64xf32, #tpu.memory_space<vmem>>
    %dma_start3A_90 = tpu.memref_squeeze %dma_start3A_89 : memref<1x128x64xf32, #tpu.memory_space<vmem>> -> memref<128x64xf32, #tpu.memory_space<vmem>>
    %dma_start3A_91 = arith.constant 0 : i32
    %dma_start3A_92 = tpu.memref_slice %arg5[%dma_start3A_84, %dma_start3A_91] : memref<200x128xi32, #tpu.memory_space<vmem>> -> memref<1x128xi32, #tpu.memory_space<vmem>>
    %dma_start3A_93 = tpu.memref_squeeze %dma_start3A_92 : memref<1x128xi32, #tpu.memory_space<vmem>> -> memref<128xi32, #tpu.memory_space<vmem>>
    %dma_start3A_94 = arith.constant 0 : i32
    %dma_start3A_95 = arith.constant 0 : i32
    %dma_start3A_96 = tpu.memref_slice %arg3[%dma_start3A_94, %dma_start3A_95] : memref<1000000x64xf32, #tpu.memory_space<hbm>> -> memref<1000000x64xf32, #tpu.memory_space<hbm>>
    %dma_start3A_97 = tpu.memref_slice %arg7[%dma_start3A_86] : memref<2x!tpu.dma_semaphore, #tpu.memory_space<semaphore_mem>> -> memref<1x!tpu.dma_semaphore, #tpu.memory_space<semaphore_mem>>
    %dma_start3A_98 = tpu.memref_squeeze %dma_start3A_97 : memref<1x!tpu.dma_semaphore, #tpu.memory_space<semaphore_mem>> -> memref<!tpu.dma_semaphore, #tpu.memory_space<semaphore_mem>>
    tpu.enqueue_indirect_dma source(%dma_start3A_96 : memref<1000000x64xf32, #tpu.memory_space<hbm>>) target(%dma_start3A_90 : memref<128x64xf32, #tpu.memory_space<vmem>>) offsets(%dma_start3A_93 : memref<128xi32, #tpu.memory_space<vmem>>) semaphore(%dma_start3A_98 : memref<!tpu.dma_semaphore, #tpu.memory_space<semaphore_mem>>)
    %dma_start3A_99 = arith.constant 6 : i32
    %dma_start3A_100 = arith.constant 1 : i32
    %dma_start3A_101 = arith.constant 1 : i32
    %dma_start3A_102 = arith.constant 128 : i32
    %dma_start3A_103 = arith.constant 0 : i32
    %dma_start3A_104 = tpu.memref_slice %arg6[%dma_start3A_100, %dma_start3A_102, %dma_start3A_103] : memref<2x640x64xf32, #tpu.memory_space<vmem>> -> memref<1x128x64xf32, #tpu.memory_space<vmem>>
    %dma_start3A_105 = tpu.memref_squeeze %dma_start3A_104 : memref<1x128x64xf32, #tpu.memory_space<vmem>> -> memref<128x64xf32, #tpu.memory_space<vmem>>
    %dma_start3A_106 = arith.constant 0 : i32
    %dma_start3A_107 = tpu.memref_slice %arg5[%dma_start3A_99, %dma_start3A_106] : memref<200x128xi32, #tpu.memory_space<vmem>> -> memref<1x128xi32, #tpu.memory_space<vmem>>
    %dma_start3A_108 = tpu.memref_squeeze %dma_start3A_107 : memref<1x128xi32, #tpu.memory_space<vmem>> -> memref<128xi32, #tpu.memory_space<vmem>>
    %dma_start3A_109 = arith.constant 0 : i32
    %dma_start3A_110 = arith.constant 0 : i32
    %dma_start3A_111 = tpu.memref_slice %arg3[%dma_start3A_109, %dma_start3A_110] : memref<1000000x64xf32, #tpu.memory_space<hbm>> -> memref<1000000x64xf32, #tpu.memory_space<hbm>>
    %dma_start3A_112 = tpu.memref_slice %arg7[%dma_start3A_101] : memref<2x!tpu.dma_semaphore, #tpu.memory_space<semaphore_mem>> -> memref<1x!tpu.dma_semaphore, #tpu.memory_space<semaphore_mem>>
    %dma_start3A_113 = tpu.memref_squeeze %dma_start3A_112 : memref<1x!tpu.dma_semaphore, #tpu.memory_space<semaphore_mem>> -> memref<!tpu.dma_semaphore, #tpu.memory_space<semaphore_mem>>
    tpu.enqueue_indirect_dma source(%dma_start3A_111 : memref<1000000x64xf32, #tpu.memory_space<hbm>>) target(%dma_start3A_105 : memref<128x64xf32, #tpu.memory_space<vmem>>) offsets(%dma_start3A_108 : memref<128xi32, #tpu.memory_space<vmem>>) semaphore(%dma_start3A_113 : memref<!tpu.dma_semaphore, #tpu.memory_space<semaphore_mem>>)
    %dma_start3A_114 = arith.constant 7 : i32
    %dma_start3A_115 = arith.constant 1 : i32
    %dma_start3A_116 = arith.constant 1 : i32
    %dma_start3A_117 = arith.constant 256 : i32
    %dma_start3A_118 = arith.constant 0 : i32
    %dma_start3A_119 = tpu.memref_slice %arg6[%dma_start3A_115, %dma_start3A_117, %dma_start3A_118] : memref<2x640x64xf32, #tpu.memory_space<vmem>> -> memref<1x128x64xf32, #tpu.memory_space<vmem>>
    %dma_start3A_120 = tpu.memref_squeeze %dma_start3A_119 : memref<1x128x64xf32, #tpu.memory_space<vmem>> -> memref<128x64xf32, #tpu.memory_space<vmem>>
    %dma_start3A_121 = arith.constant 0 : i32
    %dma_start3A_122 = tpu.memref_slice %arg5[%dma_start3A_114, %dma_start3A_121] : memref<200x128xi32, #tpu.memory_space<vmem>> -> memref<1x128xi32, #tpu.memory_space<vmem>>
    %dma_start3A_123 = tpu.memref_squeeze %dma_start3A_122 : memref<1x128xi32, #tpu.memory_space<vmem>> -> memref<128xi32, #tpu.memory_space<vmem>>
    %dma_start3A_124 = arith.constant 0 : i32
    %dma_start3A_125 = arith.constant 0 : i32
    %dma_start3A_126 = tpu.memref_slice %arg3[%dma_start3A_124, %dma_start3A_125] : memref<1000000x64xf32, #tpu.memory_space<hbm>> -> memref<1000000x64xf32, #tpu.memory_space<hbm>>
    %dma_start3A_127 = tpu.memref_slice %arg7[%dma_start3A_116] : memref<2x!tpu.dma_semaphore, #tpu.memory_space<semaphore_mem>> -> memref<1x!tpu.dma_semaphore, #tpu.memory_space<semaphore_mem>>
    %dma_start3A_128 = tpu.memref_squeeze %dma_start3A_127 : memref<1x!tpu.dma_semaphore, #tpu.memory_space<semaphore_mem>> -> memref<!tpu.dma_semaphore, #tpu.memory_space<semaphore_mem>>
    tpu.enqueue_indirect_dma source(%dma_start3A_126 : memref<1000000x64xf32, #tpu.memory_space<hbm>>) target(%dma_start3A_120 : memref<128x64xf32, #tpu.memory_space<vmem>>) offsets(%dma_start3A_123 : memref<128xi32, #tpu.memory_space<vmem>>) semaphore(%dma_start3A_128 : memref<!tpu.dma_semaphore, #tpu.memory_space<semaphore_mem>>)
    %dma_start3A_129 = arith.constant 8 : i32
    %dma_start3A_130 = arith.constant 1 : i32
    %dma_start3A_131 = arith.constant 1 : i32
    %dma_start3A_132 = arith.constant 384 : i32
    %dma_start3A_133 = arith.constant 0 : i32
    %dma_start3A_134 = tpu.memref_slice %arg6[%dma_start3A_130, %dma_start3A_132, %dma_start3A_133] : memref<2x640x64xf32, #tpu.memory_space<vmem>> -> memref<1x128x64xf32, #tpu.memory_space<vmem>>
    %dma_start3A_135 = tpu.memref_squeeze %dma_start3A_134 : memref<1x128x64xf32, #tpu.memory_space<vmem>> -> memref<128x64xf32, #tpu.memory_space<vmem>>
    %dma_start3A_136 = arith.constant 0 : i32
    %dma_start3A_137 = tpu.memref_slice %arg5[%dma_start3A_129, %dma_start3A_136] : memref<200x128xi32, #tpu.memory_space<vmem>> -> memref<1x128xi32, #tpu.memory_space<vmem>>
    %dma_start3A_138 = tpu.memref_squeeze %dma_start3A_137 : memref<1x128xi32, #tpu.memory_space<vmem>> -> memref<128xi32, #tpu.memory_space<vmem>>
    %dma_start3A_139 = arith.constant 0 : i32
    %dma_start3A_140 = arith.constant 0 : i32
    %dma_start3A_141 = tpu.memref_slice %arg3[%dma_start3A_139, %dma_start3A_140] : memref<1000000x64xf32, #tpu.memory_space<hbm>> -> memref<1000000x64xf32, #tpu.memory_space<hbm>>
    %dma_start3A_142 = tpu.memref_slice %arg7[%dma_start3A_131] : memref<2x!tpu.dma_semaphore, #tpu.memory_space<semaphore_mem>> -> memref<1x!tpu.dma_semaphore, #tpu.memory_space<semaphore_mem>>
    %dma_start3A_143 = tpu.memref_squeeze %dma_start3A_142 : memref<1x!tpu.dma_semaphore, #tpu.memory_space<semaphore_mem>> -> memref<!tpu.dma_semaphore, #tpu.memory_space<semaphore_mem>>
    tpu.enqueue_indirect_dma source(%dma_start3A_141 : memref<1000000x64xf32, #tpu.memory_space<hbm>>) target(%dma_start3A_135 : memref<128x64xf32, #tpu.memory_space<vmem>>) offsets(%dma_start3A_138 : memref<128xi32, #tpu.memory_space<vmem>>) semaphore(%dma_start3A_143 : memref<!tpu.dma_semaphore, #tpu.memory_space<semaphore_mem>>)
    %dma_start3A_144 = arith.constant 9 : i32
    %dma_start3A_145 = arith.constant 1 : i32
    %dma_start3A_146 = arith.constant 1 : i32
    %dma_start3A_147 = arith.constant 512 : i32
    %dma_start3A_148 = arith.constant 0 : i32
    %dma_start3A_149 = tpu.memref_slice %arg6[%dma_start3A_145, %dma_start3A_147, %dma_start3A_148] : memref<2x640x64xf32, #tpu.memory_space<vmem>> -> memref<1x128x64xf32, #tpu.memory_space<vmem>>
    %dma_start3A_150 = tpu.memref_squeeze %dma_start3A_149 : memref<1x128x64xf32, #tpu.memory_space<vmem>> -> memref<128x64xf32, #tpu.memory_space<vmem>>
    %dma_start3A_151 = arith.constant 0 : i32
    %dma_start3A_152 = tpu.memref_slice %arg5[%dma_start3A_144, %dma_start3A_151] : memref<200x128xi32, #tpu.memory_space<vmem>> -> memref<1x128xi32, #tpu.memory_space<vmem>>
    %dma_start3A_153 = tpu.memref_squeeze %dma_start3A_152 : memref<1x128xi32, #tpu.memory_space<vmem>> -> memref<128xi32, #tpu.memory_space<vmem>>
    %dma_start3A_154 = arith.constant 0 : i32
    %dma_start3A_155 = arith.constant 0 : i32
    %dma_start3A_156 = tpu.memref_slice %arg3[%dma_start3A_154, %dma_start3A_155] : memref<1000000x64xf32, #tpu.memory_space<hbm>> -> memref<1000000x64xf32, #tpu.memory_space<hbm>>
    %dma_start3A_157 = tpu.memref_slice %arg7[%dma_start3A_146] : memref<2x!tpu.dma_semaphore, #tpu.memory_space<semaphore_mem>> -> memref<1x!tpu.dma_semaphore, #tpu.memory_space<semaphore_mem>>
    %dma_start3A_158 = tpu.memref_squeeze %dma_start3A_157 : memref<1x!tpu.dma_semaphore, #tpu.memory_space<semaphore_mem>> -> memref<!tpu.dma_semaphore, #tpu.memory_space<semaphore_mem>>
    tpu.enqueue_indirect_dma source(%dma_start3A_156 : memref<1000000x64xf32, #tpu.memory_space<hbm>>) target(%dma_start3A_150 : memref<128x64xf32, #tpu.memory_space<vmem>>) offsets(%dma_start3A_153 : memref<128xi32, #tpu.memory_space<vmem>>) semaphore(%dma_start3A_158 : memref<!tpu.dma_semaphore, #tpu.memory_space<semaphore_mem>>)
    %dma_wait3A_159 = arith.constant 0 : i32
    %dma_wait3A_160 = arith.constant 0 : i32
    %dma_wait3A_161 = arith.constant 0 : i32
    %dma_wait3A_162 = arith.constant 0 : i32
    %dma_wait3A_163 = arith.constant 0 : i32
    %dma_wait3A_164 = tpu.memref_slice %arg6[%dma_wait3A_160, %dma_wait3A_162, %dma_wait3A_163] : memref<2x640x64xf32, #tpu.memory_space<vmem>> -> memref<1x128x64xf32, #tpu.memory_space<vmem>>
    %dma_wait3A_165 = tpu.memref_squeeze %dma_wait3A_164 : memref<1x128x64xf32, #tpu.memory_space<vmem>> -> memref<128x64xf32, #tpu.memory_space<vmem>>
    %dma_wait3A_166 = arith.constant 0 : i32
    %dma_wait3A_167 = tpu.memref_slice %arg5[%dma_wait3A_159, %dma_wait3A_166] : memref<200x128xi32, #tpu.memory_space<vmem>> -> memref<1x128xi32, #tpu.memory_space<vmem>>
    %dma_wait3A_168 = tpu.memref_squeeze %dma_wait3A_167 : memref<1x128xi32, #tpu.memory_space<vmem>> -> memref<128xi32, #tpu.memory_space<vmem>>
    %dma_wait3A_169 = arith.constant 0 : i32
    %dma_wait3A_170 = arith.constant 0 : i32
    %dma_wait3A_171 = tpu.memref_slice %arg3[%dma_wait3A_169, %dma_wait3A_170] : memref<1000000x64xf32, #tpu.memory_space<hbm>> -> memref<1000000x64xf32, #tpu.memory_space<hbm>>
    %dma_wait3A_172 = tpu.memref_slice %arg7[%dma_wait3A_161] : memref<2x!tpu.dma_semaphore, #tpu.memory_space<semaphore_mem>> -> memref<1x!tpu.dma_semaphore, #tpu.memory_space<semaphore_mem>>
    %dma_wait3A_173 = tpu.memref_squeeze %dma_wait3A_172 : memref<1x!tpu.dma_semaphore, #tpu.memory_space<semaphore_mem>> -> memref<!tpu.dma_semaphore, #tpu.memory_space<semaphore_mem>>
    tpu.wait_indirect_dma semaphore(%dma_wait3A_173 : memref<!tpu.dma_semaphore, #tpu.memory_space<semaphore_mem>>) src(%dma_wait3A_171 : memref<1000000x64xf32, #tpu.memory_space<hbm>>) dst(%dma_wait3A_165 : memref<128x64xf32, #tpu.memory_space<vmem>>)
    %dma_wait3A_174 = arith.constant 1 : i32
    %dma_wait3A_175 = arith.constant 0 : i32
    %dma_wait3A_176 = arith.constant 0 : i32
    %dma_wait3A_177 = arith.constant 128 : i32
    %dma_wait3A_178 = arith.constant 0 : i32
    %dma_wait3A_179 = tpu.memref_slice %arg6[%dma_wait3A_175, %dma_wait3A_177, %dma_wait3A_178] : memref<2x640x64xf32, #tpu.memory_space<vmem>> -> memref<1x128x64xf32, #tpu.memory_space<vmem>>
    %dma_wait3A_180 = tpu.memref_squeeze %dma_wait3A_179 : memref<1x128x64xf32, #tpu.memory_space<vmem>> -> memref<128x64xf32, #tpu.memory_space<vmem>>
    %dma_wait3A_181 = arith.constant 0 : i32
    %dma_wait3A_182 = tpu.memref_slice %arg5[%dma_wait3A_174, %dma_wait3A_181] : memref<200x128xi32, #tpu.memory_space<vmem>> -> memref<1x128xi32, #tpu.memory_space<vmem>>
    %dma_wait3A_183 = tpu.memref_squeeze %dma_wait3A_182 : memref<1x128xi32, #tpu.memory_space<vmem>> -> memref<128xi32, #tpu.memory_space<vmem>>
    %dma_wait3A_184 = arith.constant 0 : i32
    %dma_wait3A_185 = arith.constant 0 : i32
    %dma_wait3A_186 = tpu.memref_slice %arg3[%dma_wait3A_184, %dma_wait3A_185] : memref<1000000x64xf32, #tpu.memory_space<hbm>> -> memref<1000000x64xf32, #tpu.memory_space<hbm>>
    %dma_wait3A_187 = tpu.memref_slice %arg7[%dma_wait3A_176] : memref<2x!tpu.dma_semaphore, #tpu.memory_space<semaphore_mem>> -> memref<1x!tpu.dma_semaphore, #tpu.memory_space<semaphore_mem>>
    %dma_wait3A_188 = tpu.memref_squeeze %dma_wait3A_187 : memref<1x!tpu.dma_semaphore, #tpu.memory_space<semaphore_mem>> -> memref<!tpu.dma_semaphore, #tpu.memory_space<semaphore_mem>>
    tpu.wait_indirect_dma semaphore(%dma_wait3A_188 : memref<!tpu.dma_semaphore, #tpu.memory_space<semaphore_mem>>) src(%dma_wait3A_186 : memref<1000000x64xf32, #tpu.memory_space<hbm>>) dst(%dma_wait3A_180 : memref<128x64xf32, #tpu.memory_space<vmem>>)
    %dma_wait3A_189 = arith.constant 2 : i32
    %dma_wait3A_190 = arith.constant 0 : i32
    %dma_wait3A_191 = arith.constant 0 : i32
    %dma_wait3A_192 = arith.constant 256 : i32
    %dma_wait3A_193 = arith.constant 0 : i32
    %dma_wait3A_194 = tpu.memref_slice %arg6[%dma_wait3A_190, %dma_wait3A_192, %dma_wait3A_193] : memref<2x640x64xf32, #tpu.memory_space<vmem>> -> memref<1x128x64xf32, #tpu.memory_space<vmem>>
    %dma_wait3A_195 = tpu.memref_squeeze %dma_wait3A_194 : memref<1x128x64xf32, #tpu.memory_space<vmem>> -> memref<128x64xf32, #tpu.memory_space<vmem>>
    %dma_wait3A_196 = arith.constant 0 : i32
    %dma_wait3A_197 = tpu.memref_slice %arg5[%dma_wait3A_189, %dma_wait3A_196] : memref<200x128xi32, #tpu.memory_space<vmem>> -> memref<1x128xi32, #tpu.memory_space<vmem>>
    %dma_wait3A_198 = tpu.memref_squeeze %dma_wait3A_197 : memref<1x128xi32, #tpu.memory_space<vmem>> -> memref<128xi32, #tpu.memory_space<vmem>>
    %dma_wait3A_199 = arith.constant 0 : i32
    %dma_wait3A_200 = arith.constant 0 : i32
    %dma_wait3A_201 = tpu.memref_slice %arg3[%dma_wait3A_199, %dma_wait3A_200] : memref<1000000x64xf32, #tpu.memory_space<hbm>> -> memref<1000000x64xf32, #tpu.memory_space<hbm>>
    %dma_wait3A_202 = tpu.memref_slice %arg7[%dma_wait3A_191] : memref<2x!tpu.dma_semaphore, #tpu.memory_space<semaphore_mem>> -> memref<1x!tpu.dma_semaphore, #tpu.memory_space<semaphore_mem>>
    %dma_wait3A_203 = tpu.memref_squeeze %dma_wait3A_202 : memref<1x!tpu.dma_semaphore, #tpu.memory_space<semaphore_mem>> -> memref<!tpu.dma_semaphore, #tpu.memory_space<semaphore_mem>>
    tpu.wait_indirect_dma semaphore(%dma_wait3A_203 : memref<!tpu.dma_semaphore, #tpu.memory_space<semaphore_mem>>) src(%dma_wait3A_201 : memref<1000000x64xf32, #tpu.memory_space<hbm>>) dst(%dma_wait3A_195 : memref<128x64xf32, #tpu.memory_space<vmem>>)
    %dma_wait3A_204 = arith.constant 3 : i32
    %dma_wait3A_205 = arith.constant 0 : i32
    %dma_wait3A_206 = arith.constant 0 : i32
    %dma_wait3A_207 = arith.constant 384 : i32
    %dma_wait3A_208 = arith.constant 0 : i32
    %dma_wait3A_209 = tpu.memref_slice %arg6[%dma_wait3A_205, %dma_wait3A_207, %dma_wait3A_208] : memref<2x640x64xf32, #tpu.memory_space<vmem>> -> memref<1x128x64xf32, #tpu.memory_space<vmem>>
    %dma_wait3A_210 = tpu.memref_squeeze %dma_wait3A_209 : memref<1x128x64xf32, #tpu.memory_space<vmem>> -> memref<128x64xf32, #tpu.memory_space<vmem>>
    %dma_wait3A_211 = arith.constant 0 : i32
    %dma_wait3A_212 = tpu.memref_slice %arg5[%dma_wait3A_204, %dma_wait3A_211] : memref<200x128xi32, #tpu.memory_space<vmem>> -> memref<1x128xi32, #tpu.memory_space<vmem>>
    %dma_wait3A_213 = tpu.memref_squeeze %dma_wait3A_212 : memref<1x128xi32, #tpu.memory_space<vmem>> -> memref<128xi32, #tpu.memory_space<vmem>>
    %dma_wait3A_214 = arith.constant 0 : i32
    %dma_wait3A_215 = arith.constant 0 : i32
    %dma_wait3A_216 = tpu.memref_slice %arg3[%dma_wait3A_214, %dma_wait3A_215] : memref<1000000x64xf32, #tpu.memory_space<hbm>> -> memref<1000000x64xf32, #tpu.memory_space<hbm>>
    %dma_wait3A_217 = tpu.memref_slice %arg7[%dma_wait3A_206] : memref<2x!tpu.dma_semaphore, #tpu.memory_space<semaphore_mem>> -> memref<1x!tpu.dma_semaphore, #tpu.memory_space<semaphore_mem>>
    %dma_wait3A_218 = tpu.memref_squeeze %dma_wait3A_217 : memref<1x!tpu.dma_semaphore, #tpu.memory_space<semaphore_mem>> -> memref<!tpu.dma_semaphore, #tpu.memory_space<semaphore_mem>>
    tpu.wait_indirect_dma semaphore(%dma_wait3A_218 : memref<!tpu.dma_semaphore, #tpu.memory_space<semaphore_mem>>) src(%dma_wait3A_216 : memref<1000000x64xf32, #tpu.memory_space<hbm>>) dst(%dma_wait3A_210 : memref<128x64xf32, #tpu.memory_space<vmem>>)
    %dma_wait3A_219 = arith.constant 4 : i32
    %dma_wait3A_220 = arith.constant 0 : i32
    %dma_wait3A_221 = arith.constant 0 : i32
    %dma_wait3A_222 = arith.constant 512 : i32
    %dma_wait3A_223 = arith.constant 0 : i32
    %dma_wait3A_224 = tpu.memref_slice %arg6[%dma_wait3A_220, %dma_wait3A_222, %dma_wait3A_223] : memref<2x640x64xf32, #tpu.memory_space<vmem>> -> memref<1x128x64xf32, #tpu.memory_space<vmem>>
    %dma_wait3A_225 = tpu.memref_squeeze %dma_wait3A_224 : memref<1x128x64xf32, #tpu.memory_space<vmem>> -> memref<128x64xf32, #tpu.memory_space<vmem>>
    %dma_wait3A_226 = arith.constant 0 : i32
    %dma_wait3A_227 = tpu.memref_slice %arg5[%dma_wait3A_219, %dma_wait3A_226] : memref<200x128xi32, #tpu.memory_space<vmem>> -> memref<1x128xi32, #tpu.memory_space<vmem>>
    %dma_wait3A_228 = tpu.memref_squeeze %dma_wait3A_227 : memref<1x128xi32, #tpu.memory_space<vmem>> -> memref<128xi32, #tpu.memory_space<vmem>>
    %dma_wait3A_229 = arith.constant 0 : i32
    %dma_wait3A_230 = arith.constant 0 : i32
    %dma_wait3A_231 = tpu.memref_slice %arg3[%dma_wait3A_229, %dma_wait3A_230] : memref<1000000x64xf32, #tpu.memory_space<hbm>> -> memref<1000000x64xf32, #tpu.memory_space<hbm>>
    %dma_wait3A_232 = tpu.memref_slice %arg7[%dma_wait3A_221] : memref<2x!tpu.dma_semaphore, #tpu.memory_space<semaphore_mem>> -> memref<1x!tpu.dma_semaphore, #tpu.memory_space<semaphore_mem>>
    %dma_wait3A_233 = tpu.memref_squeeze %dma_wait3A_232 : memref<1x!tpu.dma_semaphore, #tpu.memory_space<semaphore_mem>> -> memref<!tpu.dma_semaphore, #tpu.memory_space<semaphore_mem>>
    tpu.wait_indirect_dma semaphore(%dma_wait3A_233 : memref<!tpu.dma_semaphore, #tpu.memory_space<semaphore_mem>>) src(%dma_wait3A_231 : memref<1000000x64xf32, #tpu.memory_space<hbm>>) dst(%dma_wait3A_225 : memref<128x64xf32, #tpu.memory_space<vmem>>)
    %add3A_234 = arith.constant 0 : i32
    %add3A_235 = arith.addi %mul3A_2, %add3A_234 : i32
    %mul3A_236 = arith.constant 128 : i32
    %mul3A_237 = arith.muli %add3A_235, %mul3A_236 : i32
    %dma_start3A_238 = arith.constant 0 : i32
    %dma_start3A_239 = arith.constant 0 : i32
    %dma_start3A_240 = arith.constant 0 : i32
    %dma_start3A_241 = arith.constant 0 : i32
    %dma_start3A_242 = tpu.memref_slice %arg6[%dma_start3A_238, %dma_start3A_240, %dma_start3A_241] : memref<2x640x64xf32, #tpu.memory_space<vmem>> -> memref<1x640x64xf32, #tpu.memory_space<vmem>>
    %dma_start3A_243 = tpu.memref_squeeze %dma_start3A_242 : memref<1x640x64xf32, #tpu.memory_space<vmem>> -> memref<640x64xf32, #tpu.memory_space<vmem>>
    %dma_start3A_244 = arith.constant 0 : i32
    %dma_start3A_245 = tpu.memref_slice %arg4[%mul3A_237, %dma_start3A_244] : memref<819200x64xf32, #tpu.memory_space<hbm>> -> memref<640x64xf32, #tpu.memory_space<hbm>>
    %dma_start3A_246 = tpu.memref_slice %arg8[%dma_start3A_239] : memref<2x!tpu.dma_semaphore, #tpu.memory_space<semaphore_mem>> -> memref<1x!tpu.dma_semaphore, #tpu.memory_space<semaphore_mem>>
    %dma_start3A_247 = tpu.memref_squeeze %dma_start3A_246 : memref<1x!tpu.dma_semaphore, #tpu.memory_space<semaphore_mem>> -> memref<!tpu.dma_semaphore, #tpu.memory_space<semaphore_mem>>
    %dma_start3A_248 = arith.constant 0 : i32
    %dma_start3A_249 = tpu.memref_slice %arg4[%mul3A_237, %dma_start3A_248] : memref<819200x64xf32, #tpu.memory_space<hbm>> -> memref<640x64xf32, #tpu.memory_space<hbm>>
    %dma_start3A_250 = arith.constant 0 : i32
    %dma_start3A_251 = arith.constant 0 : i32
    %dma_start3A_252 = tpu.memref_slice %arg6[%dma_start3A_238, %dma_start3A_250, %dma_start3A_251] : memref<2x640x64xf32, #tpu.memory_space<vmem>> -> memref<1x640x64xf32, #tpu.memory_space<vmem>>
    %dma_start3A_253 = tpu.memref_squeeze %dma_start3A_252 : memref<1x640x64xf32, #tpu.memory_space<vmem>> -> memref<640x64xf32, #tpu.memory_space<vmem>>
    tpu.enqueue_dma source(%dma_start3A_253 : memref<640x64xf32, #tpu.memory_space<vmem>>) target(%dma_start3A_249 : memref<640x64xf32, #tpu.memory_space<hbm>>) target_semaphore(%dma_start3A_247 : memref<!tpu.dma_semaphore, #tpu.memory_space<semaphore_mem>>)
    %scan3A = arith.constant 0 : i32
    %scan3A_254 = arith.constant 19 : i32
    %scan3A_255 = arith.addi %scan3A, %scan3A_254 : i32
    %scan3A_256 = arith.constant 1 : i32
    scf.for %scan3A_393 = %scan3A to %scan3A_255 step %scan3A_256  : i32 {
      %mul3A_394 = arith.constant 2 : i32
      %mul3A_395 = arith.muli %scan3A_393, %mul3A_394 : i32
      %add3A_396 = arith.constant 1 : i32
      %add3A_397 = arith.addi %add3A_396, %mul3A_395 : i32
      %add3A_398 = arith.constant 0 : i32
      %add3A_399 = arith.addi %add3A_397, %add3A_398 : i32
      %sub3A = arith.constant 1 : i32
      %sub3A_400 = arith.subi %add3A_399, %sub3A : i32
      %mul3A_401 = arith.constant 5 : i32
      %mul3A_402 = arith.muli %sub3A_400, %mul3A_401 : i32
      %add3A_403 = arith.addi %mul3A_2, %mul3A_402 : i32
      %mul3A_404 = arith.constant 128 : i32
      %mul3A_405 = arith.muli %add3A_403, %mul3A_404 : i32
      %dma_wait3A_406 = arith.constant 0 : i32
      %dma_wait3A_407 = arith.constant 0 : i32
      %dma_wait3A_408 = arith.constant 0 : i32
      %dma_wait3A_409 = arith.constant 0 : i32
      %dma_wait3A_410 = tpu.memref_slice %arg6[%dma_wait3A_406, %dma_wait3A_408, %dma_wait3A_409] : memref<2x640x64xf32, #tpu.memory_space<vmem>> -> memref<1x640x64xf32, #tpu.memory_space<vmem>>
      %dma_wait3A_411 = tpu.memref_squeeze %dma_wait3A_410 : memref<1x640x64xf32, #tpu.memory_space<vmem>> -> memref<640x64xf32, #tpu.memory_space<vmem>>
      %dma_wait3A_412 = arith.constant 0 : i32
      %dma_wait3A_413 = tpu.memref_slice %arg4[%mul3A_405, %dma_wait3A_412] : memref<819200x64xf32, #tpu.memory_space<hbm>> -> memref<640x64xf32, #tpu.memory_space<hbm>>
      %dma_wait3A_414 = tpu.memref_slice %arg8[%dma_wait3A_407] : memref<2x!tpu.dma_semaphore, #tpu.memory_space<semaphore_mem>> -> memref<1x!tpu.dma_semaphore, #tpu.memory_space<semaphore_mem>>
      %dma_wait3A_415 = tpu.memref_squeeze %dma_wait3A_414 : memref<1x!tpu.dma_semaphore, #tpu.memory_space<semaphore_mem>> -> memref<!tpu.dma_semaphore, #tpu.memory_space<semaphore_mem>>
      %dma_wait3A_416 = arith.constant 0 : i32
      %dma_wait3A_417 = tpu.memref_slice %arg4[%mul3A_405, %dma_wait3A_416] : memref<819200x64xf32, #tpu.memory_space<hbm>> -> memref<640x64xf32, #tpu.memory_space<hbm>>
      %dma_wait3A_418 = arith.constant 0 : i32
      %dma_wait3A_419 = arith.constant 0 : i32
      %dma_wait3A_420 = tpu.memref_slice %arg6[%dma_wait3A_406, %dma_wait3A_418, %dma_wait3A_419] : memref<2x640x64xf32, #tpu.memory_space<vmem>> -> memref<1x640x64xf32, #tpu.memory_space<vmem>>
      %dma_wait3A_421 = tpu.memref_squeeze %dma_wait3A_420 : memref<1x640x64xf32, #tpu.memory_space<vmem>> -> memref<640x64xf32, #tpu.memory_space<vmem>>
      tpu.wait_dma2 semaphore(%dma_wait3A_415 : memref<!tpu.dma_semaphore, #tpu.memory_space<semaphore_mem>>) src(%dma_wait3A_421 : memref<640x64xf32, #tpu.memory_space<vmem>>) dst(%dma_wait3A_417 : memref<640x64xf32, #tpu.memory_space<hbm>>)
      %add3A_422 = arith.constant 1 : i32
      %add3A_423 = arith.addi %add3A_399, %add3A_422 : i32
      %mul3A_424 = arith.constant 5 : i32
      %mul3A_425 = arith.muli %add3A_423, %mul3A_424 : i32
      %add3A_426 = arith.constant 0 : i32
      %add3A_427 = arith.addi %mul3A_425, %add3A_426 : i32
      %dma_start3A_428 = arith.constant 0 : i32
      %dma_start3A_429 = arith.constant 0 : i32
      %dma_start3A_430 = arith.constant 0 : i32
      %dma_start3A_431 = arith.constant 0 : i32
      %dma_start3A_432 = tpu.memref_slice %arg6[%dma_start3A_428, %dma_start3A_430, %dma_start3A_431] : memref<2x640x64xf32, #tpu.memory_space<vmem>> -> memref<1x128x64xf32, #tpu.memory_space<vmem>>
      %dma_start3A_433 = tpu.memref_squeeze %dma_start3A_432 : memref<1x128x64xf32, #tpu.memory_space<vmem>> -> memref<128x64xf32, #tpu.memory_space<vmem>>
      %dma_start3A_434 = arith.constant 0 : i32
      %dma_start3A_435 = tpu.memref_slice %arg5[%add3A_427, %dma_start3A_434] : memref<200x128xi32, #tpu.memory_space<vmem>> -> memref<1x128xi32, #tpu.memory_space<vmem>>
      %dma_start3A_436 = tpu.memref_squeeze %dma_start3A_435 : memref<1x128xi32, #tpu.memory_space<vmem>> -> memref<128xi32, #tpu.memory_space<vmem>>
      %dma_start3A_437 = arith.constant 0 : i32
      %dma_start3A_438 = arith.constant 0 : i32
      %dma_start3A_439 = tpu.memref_slice %arg3[%dma_start3A_437, %dma_start3A_438] : memref<1000000x64xf32, #tpu.memory_space<hbm>> -> memref<1000000x64xf32, #tpu.memory_space<hbm>>
      %dma_start3A_440 = tpu.memref_slice %arg7[%dma_start3A_429] : memref<2x!tpu.dma_semaphore, #tpu.memory_space<semaphore_mem>> -> memref<1x!tpu.dma_semaphore, #tpu.memory_space<semaphore_mem>>
      %dma_start3A_441 = tpu.memref_squeeze %dma_start3A_440 : memref<1x!tpu.dma_semaphore, #tpu.memory_space<semaphore_mem>> -> memref<!tpu.dma_semaphore, #tpu.memory_space<semaphore_mem>>
      tpu.enqueue_indirect_dma source(%dma_start3A_439 : memref<1000000x64xf32, #tpu.memory_space<hbm>>) target(%dma_start3A_433 : memref<128x64xf32, #tpu.memory_space<vmem>>) offsets(%dma_start3A_436 : memref<128xi32, #tpu.memory_space<vmem>>) semaphore(%dma_start3A_441 : memref<!tpu.dma_semaphore, #tpu.memory_space<semaphore_mem>>)
      %mul3A_442 = arith.constant 5 : i32
      %mul3A_443 = arith.muli %add3A_423, %mul3A_442 : i32
      %add3A_444 = arith.constant 1 : i32
      %add3A_445 = arith.addi %mul3A_443, %add3A_444 : i32
      %dma_start3A_446 = arith.constant 0 : i32
      %dma_start3A_447 = arith.constant 0 : i32
      %dma_start3A_448 = arith.constant 128 : i32
      %dma_start3A_449 = arith.constant 0 : i32
      %dma_start3A_450 = tpu.memref_slice %arg6[%dma_start3A_446, %dma_start3A_448, %dma_start3A_449] : memref<2x640x64xf32, #tpu.memory_space<vmem>> -> memref<1x128x64xf32, #tpu.memory_space<vmem>>
      %dma_start3A_451 = tpu.memref_squeeze %dma_start3A_450 : memref<1x128x64xf32, #tpu.memory_space<vmem>> -> memref<128x64xf32, #tpu.memory_space<vmem>>
      %dma_start3A_452 = arith.constant 0 : i32
      %dma_start3A_453 = tpu.memref_slice %arg5[%add3A_445, %dma_start3A_452] : memref<200x128xi32, #tpu.memory_space<vmem>> -> memref<1x128xi32, #tpu.memory_space<vmem>>
      %dma_start3A_454 = tpu.memref_squeeze %dma_start3A_453 : memref<1x128xi32, #tpu.memory_space<vmem>> -> memref<128xi32, #tpu.memory_space<vmem>>
      %dma_start3A_455 = arith.constant 0 : i32
      %dma_start3A_456 = arith.constant 0 : i32
      %dma_start3A_457 = tpu.memref_slice %arg3[%dma_start3A_455, %dma_start3A_456] : memref<1000000x64xf32, #tpu.memory_space<hbm>> -> memref<1000000x64xf32, #tpu.memory_space<hbm>>
      %dma_start3A_458 = tpu.memref_slice %arg7[%dma_start3A_447] : memref<2x!tpu.dma_semaphore, #tpu.memory_space<semaphore_mem>> -> memref<1x!tpu.dma_semaphore, #tpu.memory_space<semaphore_mem>>
      %dma_start3A_459 = tpu.memref_squeeze %dma_start3A_458 : memref<1x!tpu.dma_semaphore, #tpu.memory_space<semaphore_mem>> -> memref<!tpu.dma_semaphore, #tpu.memory_space<semaphore_mem>>
      tpu.enqueue_indirect_dma source(%dma_start3A_457 : memref<1000000x64xf32, #tpu.memory_space<hbm>>) target(%dma_start3A_451 : memref<128x64xf32, #tpu.memory_space<vmem>>) offsets(%dma_start3A_454 : memref<128xi32, #tpu.memory_space<vmem>>) semaphore(%dma_start3A_459 : memref<!tpu.dma_semaphore, #tpu.memory_space<semaphore_mem>>)
      %mul3A_460 = arith.constant 5 : i32
      %mul3A_461 = arith.muli %add3A_423, %mul3A_460 : i32
      %add3A_462 = arith.constant 2 : i32
      %add3A_463 = arith.addi %mul3A_461, %add3A_462 : i32
      %dma_start3A_464 = arith.constant 0 : i32
      %dma_start3A_465 = arith.constant 0 : i32
      %dma_start3A_466 = arith.constant 256 : i32
      %dma_start3A_467 = arith.constant 0 : i32
      %dma_start3A_468 = tpu.memref_slice %arg6[%dma_start3A_464, %dma_start3A_466, %dma_start3A_467] : memref<2x640x64xf32, #tpu.memory_space<vmem>> -> memref<1x128x64xf32, #tpu.memory_space<vmem>>
      %dma_start3A_469 = tpu.memref_squeeze %dma_start3A_468 : memref<1x128x64xf32, #tpu.memory_space<vmem>> -> memref<128x64xf32, #tpu.memory_space<vmem>>
      %dma_start3A_470 = arith.constant 0 : i32
      %dma_start3A_471 = tpu.memref_slice %arg5[%add3A_463, %dma_start3A_470] : memref<200x128xi32, #tpu.memory_space<vmem>> -> memref<1x128xi32, #tpu.memory_space<vmem>>
      %dma_start3A_472 = tpu.memref_squeeze %dma_start3A_471 : memref<1x128xi32, #tpu.memory_space<vmem>> -> memref<128xi32, #tpu.memory_space<vmem>>
      %dma_start3A_473 = arith.constant 0 : i32
      %dma_start3A_474 = arith.constant 0 : i32
      %dma_start3A_475 = tpu.memref_slice %arg3[%dma_start3A_473, %dma_start3A_474] : memref<1000000x64xf32, #tpu.memory_space<hbm>> -> memref<1000000x64xf32, #tpu.memory_space<hbm>>
      %dma_start3A_476 = tpu.memref_slice %arg7[%dma_start3A_465] : memref<2x!tpu.dma_semaphore, #tpu.memory_space<semaphore_mem>> -> memref<1x!tpu.dma_semaphore, #tpu.memory_space<semaphore_mem>>
      %dma_start3A_477 = tpu.memref_squeeze %dma_start3A_476 : memref<1x!tpu.dma_semaphore, #tpu.memory_space<semaphore_mem>> -> memref<!tpu.dma_semaphore, #tpu.memory_space<semaphore_mem>>
      tpu.enqueue_indirect_dma source(%dma_start3A_475 : memref<1000000x64xf32, #tpu.memory_space<hbm>>) target(%dma_start3A_469 : memref<128x64xf32, #tpu.memory_space<vmem>>) offsets(%dma_start3A_472 : memref<128xi32, #tpu.memory_space<vmem>>) semaphore(%dma_start3A_477 : memref<!tpu.dma_semaphore, #tpu.memory_space<semaphore_mem>>)
      %mul3A_478 = arith.constant 5 : i32
      %mul3A_479 = arith.muli %add3A_423, %mul3A_478 : i32
      %add3A_480 = arith.constant 3 : i32
      %add3A_481 = arith.addi %mul3A_479, %add3A_480 : i32
      %dma_start3A_482 = arith.constant 0 : i32
      %dma_start3A_483 = arith.constant 0 : i32
      %dma_start3A_484 = arith.constant 384 : i32
      %dma_start3A_485 = arith.constant 0 : i32
      %dma_start3A_486 = tpu.memref_slice %arg6[%dma_start3A_482, %dma_start3A_484, %dma_start3A_485] : memref<2x640x64xf32, #tpu.memory_space<vmem>> -> memref<1x128x64xf32, #tpu.memory_space<vmem>>
      %dma_start3A_487 = tpu.memref_squeeze %dma_start3A_486 : memref<1x128x64xf32, #tpu.memory_space<vmem>> -> memref<128x64xf32, #tpu.memory_space<vmem>>
      %dma_start3A_488 = arith.constant 0 : i32
      %dma_start3A_489 = tpu.memref_slice %arg5[%add3A_481, %dma_start3A_488] : memref<200x128xi32, #tpu.memory_space<vmem>> -> memref<1x128xi32, #tpu.memory_space<vmem>>
      %dma_start3A_490 = tpu.memref_squeeze %dma_start3A_489 : memref<1x128xi32, #tpu.memory_space<vmem>> -> memref<128xi32, #tpu.memory_space<vmem>>
      %dma_start3A_491 = arith.constant 0 : i32
      %dma_start3A_492 = arith.constant 0 : i32
      %dma_start3A_493 = tpu.memref_slice %arg3[%dma_start3A_491, %dma_start3A_492] : memref<1000000x64xf32, #tpu.memory_space<hbm>> -> memref<1000000x64xf32, #tpu.memory_space<hbm>>
      %dma_start3A_494 = tpu.memref_slice %arg7[%dma_start3A_483] : memref<2x!tpu.dma_semaphore, #tpu.memory_space<semaphore_mem>> -> memref<1x!tpu.dma_semaphore, #tpu.memory_space<semaphore_mem>>
      %dma_start3A_495 = tpu.memref_squeeze %dma_start3A_494 : memref<1x!tpu.dma_semaphore, #tpu.memory_space<semaphore_mem>> -> memref<!tpu.dma_semaphore, #tpu.memory_space<semaphore_mem>>
      tpu.enqueue_indirect_dma source(%dma_start3A_493 : memref<1000000x64xf32, #tpu.memory_space<hbm>>) target(%dma_start3A_487 : memref<128x64xf32, #tpu.memory_space<vmem>>) offsets(%dma_start3A_490 : memref<128xi32, #tpu.memory_space<vmem>>) semaphore(%dma_start3A_495 : memref<!tpu.dma_semaphore, #tpu.memory_space<semaphore_mem>>)
      %mul3A_496 = arith.constant 5 : i32
      %mul3A_497 = arith.muli %add3A_423, %mul3A_496 : i32
      %add3A_498 = arith.constant 4 : i32
      %add3A_499 = arith.addi %mul3A_497, %add3A_498 : i32
      %dma_start3A_500 = arith.constant 0 : i32
      %dma_start3A_501 = arith.constant 0 : i32
      %dma_start3A_502 = arith.constant 512 : i32
      %dma_start3A_503 = arith.constant 0 : i32
      %dma_start3A_504 = tpu.memref_slice %arg6[%dma_start3A_500, %dma_start3A_502, %dma_start3A_503] : memref<2x640x64xf32, #tpu.memory_space<vmem>> -> memref<1x128x64xf32, #tpu.memory_space<vmem>>
      %dma_start3A_505 = tpu.memref_squeeze %dma_start3A_504 : memref<1x128x64xf32, #tpu.memory_space<vmem>> -> memref<128x64xf32, #tpu.memory_space<vmem>>
      %dma_start3A_506 = arith.constant 0 : i32
      %dma_start3A_507 = tpu.memref_slice %arg5[%add3A_499, %dma_start3A_506] : memref<200x128xi32, #tpu.memory_space<vmem>> -> memref<1x128xi32, #tpu.memory_space<vmem>>
      %dma_start3A_508 = tpu.memref_squeeze %dma_start3A_507 : memref<1x128xi32, #tpu.memory_space<vmem>> -> memref<128xi32, #tpu.memory_space<vmem>>
      %dma_start3A_509 = arith.constant 0 : i32
      %dma_start3A_510 = arith.constant 0 : i32
      %dma_start3A_511 = tpu.memref_slice %arg3[%dma_start3A_509, %dma_start3A_510] : memref<1000000x64xf32, #tpu.memory_space<hbm>> -> memref<1000000x64xf32, #tpu.memory_space<hbm>>
      %dma_start3A_512 = tpu.memref_slice %arg7[%dma_start3A_501] : memref<2x!tpu.dma_semaphore, #tpu.memory_space<semaphore_mem>> -> memref<1x!tpu.dma_semaphore, #tpu.memory_space<semaphore_mem>>
      %dma_start3A_513 = tpu.memref_squeeze %dma_start3A_512 : memref<1x!tpu.dma_semaphore, #tpu.memory_space<semaphore_mem>> -> memref<!tpu.dma_semaphore, #tpu.memory_space<semaphore_mem>>
      tpu.enqueue_indirect_dma source(%dma_start3A_511 : memref<1000000x64xf32, #tpu.memory_space<hbm>>) target(%dma_start3A_505 : memref<128x64xf32, #tpu.memory_space<vmem>>) offsets(%dma_start3A_508 : memref<128xi32, #tpu.memory_space<vmem>>) semaphore(%dma_start3A_513 : memref<!tpu.dma_semaphore, #tpu.memory_space<semaphore_mem>>)
      %mul3A_514 = arith.constant 5 : i32
      %mul3A_515 = arith.muli %add3A_399, %mul3A_514 : i32
      %add3A_516 = arith.constant 0 : i32
      %add3A_517 = arith.addi %mul3A_515, %add3A_516 : i32
      %dma_wait3A_518 = arith.constant 1 : i32
      %dma_wait3A_519 = arith.constant 1 : i32
      %dma_wait3A_520 = arith.constant 0 : i32
      %dma_wait3A_521 = arith.constant 0 : i32
      %dma_wait3A_522 = tpu.memref_slice %arg6[%dma_wait3A_518, %dma_wait3A_520, %dma_wait3A_521] : memref<2x640x64xf32, #tpu.memory_space<vmem>> -> memref<1x128x64xf32, #tpu.memory_space<vmem>>
      %dma_wait3A_523 = tpu.memref_squeeze %dma_wait3A_522 : memref<1x128x64xf32, #tpu.memory_space<vmem>> -> memref<128x64xf32, #tpu.memory_space<vmem>>
      %dma_wait3A_524 = arith.constant 0 : i32
      %dma_wait3A_525 = tpu.memref_slice %arg5[%add3A_517, %dma_wait3A_524] : memref<200x128xi32, #tpu.memory_space<vmem>> -> memref<1x128xi32, #tpu.memory_space<vmem>>
      %dma_wait3A_526 = tpu.memref_squeeze %dma_wait3A_525 : memref<1x128xi32, #tpu.memory_space<vmem>> -> memref<128xi32, #tpu.memory_space<vmem>>
      %dma_wait3A_527 = arith.constant 0 : i32
      %dma_wait3A_528 = arith.constant 0 : i32
      %dma_wait3A_529 = tpu.memref_slice %arg3[%dma_wait3A_527, %dma_wait3A_528] : memref<1000000x64xf32, #tpu.memory_space<hbm>> -> memref<1000000x64xf32, #tpu.memory_space<hbm>>
      %dma_wait3A_530 = tpu.memref_slice %arg7[%dma_wait3A_519] : memref<2x!tpu.dma_semaphore, #tpu.memory_space<semaphore_mem>> -> memref<1x!tpu.dma_semaphore, #tpu.memory_space<semaphore_mem>>
      %dma_wait3A_531 = tpu.memref_squeeze %dma_wait3A_530 : memref<1x!tpu.dma_semaphore, #tpu.memory_space<semaphore_mem>> -> memref<!tpu.dma_semaphore, #tpu.memory_space<semaphore_mem>>
      tpu.wait_indirect_dma semaphore(%dma_wait3A_531 : memref<!tpu.dma_semaphore, #tpu.memory_space<semaphore_mem>>) src(%dma_wait3A_529 : memref<1000000x64xf32, #tpu.memory_space<hbm>>) dst(%dma_wait3A_523 : memref<128x64xf32, #tpu.memory_space<vmem>>)
      %mul3A_532 = arith.constant 5 : i32
      %mul3A_533 = arith.muli %add3A_399, %mul3A_532 : i32
      %add3A_534 = arith.constant 1 : i32
      %add3A_535 = arith.addi %mul3A_533, %add3A_534 : i32
      %dma_wait3A_536 = arith.constant 1 : i32
      %dma_wait3A_537 = arith.constant 1 : i32
      %dma_wait3A_538 = arith.constant 128 : i32
      %dma_wait3A_539 = arith.constant 0 : i32
      %dma_wait3A_540 = tpu.memref_slice %arg6[%dma_wait3A_536, %dma_wait3A_538, %dma_wait3A_539] : memref<2x640x64xf32, #tpu.memory_space<vmem>> -> memref<1x128x64xf32, #tpu.memory_space<vmem>>
      %dma_wait3A_541 = tpu.memref_squeeze %dma_wait3A_540 : memref<1x128x64xf32, #tpu.memory_space<vmem>> -> memref<128x64xf32, #tpu.memory_space<vmem>>
      %dma_wait3A_542 = arith.constant 0 : i32
      %dma_wait3A_543 = tpu.memref_slice %arg5[%add3A_535, %dma_wait3A_542] : memref<200x128xi32, #tpu.memory_space<vmem>> -> memref<1x128xi32, #tpu.memory_space<vmem>>
      %dma_wait3A_544 = tpu.memref_squeeze %dma_wait3A_543 : memref<1x128xi32, #tpu.memory_space<vmem>> -> memref<128xi32, #tpu.memory_space<vmem>>
      %dma_wait3A_545 = arith.constant 0 : i32
      %dma_wait3A_546 = arith.constant 0 : i32
      %dma_wait3A_547 = tpu.memref_slice %arg3[%dma_wait3A_545, %dma_wait3A_546] : memref<1000000x64xf32, #tpu.memory_space<hbm>> -> memref<1000000x64xf32, #tpu.memory_space<hbm>>
      %dma_wait3A_548 = tpu.memref_slice %arg7[%dma_wait3A_537] : memref<2x!tpu.dma_semaphore, #tpu.memory_space<semaphore_mem>> -> memref<1x!tpu.dma_semaphore, #tpu.memory_space<semaphore_mem>>
      %dma_wait3A_549 = tpu.memref_squeeze %dma_wait3A_548 : memref<1x!tpu.dma_semaphore, #tpu.memory_space<semaphore_mem>> -> memref<!tpu.dma_semaphore, #tpu.memory_space<semaphore_mem>>
      tpu.wait_indirect_dma semaphore(%dma_wait3A_549 : memref<!tpu.dma_semaphore, #tpu.memory_space<semaphore_mem>>) src(%dma_wait3A_547 : memref<1000000x64xf32, #tpu.memory_space<hbm>>) dst(%dma_wait3A_541 : memref<128x64xf32, #tpu.memory_space<vmem>>)
      %mul3A_550 = arith.constant 5 : i32
      %mul3A_551 = arith.muli %add3A_399, %mul3A_550 : i32
      %add3A_552 = arith.constant 2 : i32
      %add3A_553 = arith.addi %mul3A_551, %add3A_552 : i32
      %dma_wait3A_554 = arith.constant 1 : i32
      %dma_wait3A_555 = arith.constant 1 : i32
      %dma_wait3A_556 = arith.constant 256 : i32
      %dma_wait3A_557 = arith.constant 0 : i32
      %dma_wait3A_558 = tpu.memref_slice %arg6[%dma_wait3A_554, %dma_wait3A_556, %dma_wait3A_557] : memref<2x640x64xf32, #tpu.memory_space<vmem>> -> memref<1x128x64xf32, #tpu.memory_space<vmem>>
      %dma_wait3A_559 = tpu.memref_squeeze %dma_wait3A_558 : memref<1x128x64xf32, #tpu.memory_space<vmem>> -> memref<128x64xf32, #tpu.memory_space<vmem>>
      %dma_wait3A_560 = arith.constant 0 : i32
      %dma_wait3A_561 = tpu.memref_slice %arg5[%add3A_553, %dma_wait3A_560] : memref<200x128xi32, #tpu.memory_space<vmem>> -> memref<1x128xi32, #tpu.memory_space<vmem>>
      %dma_wait3A_562 = tpu.memref_squeeze %dma_wait3A_561 : memref<1x128xi32, #tpu.memory_space<vmem>> -> memref<128xi32, #tpu.memory_space<vmem>>
      %dma_wait3A_563 = arith.constant 0 : i32
      %dma_wait3A_564 = arith.constant 0 : i32
      %dma_wait3A_565 = tpu.memref_slice %arg3[%dma_wait3A_563, %dma_wait3A_564] : memref<1000000x64xf32, #tpu.memory_space<hbm>> -> memref<1000000x64xf32, #tpu.memory_space<hbm>>
      %dma_wait3A_566 = tpu.memref_slice %arg7[%dma_wait3A_555] : memref<2x!tpu.dma_semaphore, #tpu.memory_space<semaphore_mem>> -> memref<1x!tpu.dma_semaphore, #tpu.memory_space<semaphore_mem>>
      %dma_wait3A_567 = tpu.memref_squeeze %dma_wait3A_566 : memref<1x!tpu.dma_semaphore, #tpu.memory_space<semaphore_mem>> -> memref<!tpu.dma_semaphore, #tpu.memory_space<semaphore_mem>>
      tpu.wait_indirect_dma semaphore(%dma_wait3A_567 : memref<!tpu.dma_semaphore, #tpu.memory_space<semaphore_mem>>) src(%dma_wait3A_565 : memref<1000000x64xf32, #tpu.memory_space<hbm>>) dst(%dma_wait3A_559 : memref<128x64xf32, #tpu.memory_space<vmem>>)
      %mul3A_568 = arith.constant 5 : i32
      %mul3A_569 = arith.muli %add3A_399, %mul3A_568 : i32
      %add3A_570 = arith.constant 3 : i32
      %add3A_571 = arith.addi %mul3A_569, %add3A_570 : i32
      %dma_wait3A_572 = arith.constant 1 : i32
      %dma_wait3A_573 = arith.constant 1 : i32
      %dma_wait3A_574 = arith.constant 384 : i32
      %dma_wait3A_575 = arith.constant 0 : i32
      %dma_wait3A_576 = tpu.memref_slice %arg6[%dma_wait3A_572, %dma_wait3A_574, %dma_wait3A_575] : memref<2x640x64xf32, #tpu.memory_space<vmem>> -> memref<1x128x64xf32, #tpu.memory_space<vmem>>
      %dma_wait3A_577 = tpu.memref_squeeze %dma_wait3A_576 : memref<1x128x64xf32, #tpu.memory_space<vmem>> -> memref<128x64xf32, #tpu.memory_space<vmem>>
      %dma_wait3A_578 = arith.constant 0 : i32
      %dma_wait3A_579 = tpu.memref_slice %arg5[%add3A_571, %dma_wait3A_578] : memref<200x128xi32, #tpu.memory_space<vmem>> -> memref<1x128xi32, #tpu.memory_space<vmem>>
      %dma_wait3A_580 = tpu.memref_squeeze %dma_wait3A_579 : memref<1x128xi32, #tpu.memory_space<vmem>> -> memref<128xi32, #tpu.memory_space<vmem>>
      %dma_wait3A_581 = arith.constant 0 : i32
      %dma_wait3A_582 = arith.constant 0 : i32
      %dma_wait3A_583 = tpu.memref_slice %arg3[%dma_wait3A_581, %dma_wait3A_582] : memref<1000000x64xf32, #tpu.memory_space<hbm>> -> memref<1000000x64xf32, #tpu.memory_space<hbm>>
      %dma_wait3A_584 = tpu.memref_slice %arg7[%dma_wait3A_573] : memref<2x!tpu.dma_semaphore, #tpu.memory_space<semaphore_mem>> -> memref<1x!tpu.dma_semaphore, #tpu.memory_space<semaphore_mem>>
      %dma_wait3A_585 = tpu.memref_squeeze %dma_wait3A_584 : memref<1x!tpu.dma_semaphore, #tpu.memory_space<semaphore_mem>> -> memref<!tpu.dma_semaphore, #tpu.memory_space<semaphore_mem>>
      tpu.wait_indirect_dma semaphore(%dma_wait3A_585 : memref<!tpu.dma_semaphore, #tpu.memory_space<semaphore_mem>>) src(%dma_wait3A_583 : memref<1000000x64xf32, #tpu.memory_space<hbm>>) dst(%dma_wait3A_577 : memref<128x64xf32, #tpu.memory_space<vmem>>)
      %mul3A_586 = arith.constant 5 : i32
      %mul3A_587 = arith.muli %add3A_399, %mul3A_586 : i32
      %add3A_588 = arith.constant 4 : i32
      %add3A_589 = arith.addi %mul3A_587, %add3A_588 : i32
      %dma_wait3A_590 = arith.constant 1 : i32
      %dma_wait3A_591 = arith.constant 1 : i32
      %dma_wait3A_592 = arith.constant 512 : i32
      %dma_wait3A_593 = arith.constant 0 : i32
      %dma_wait3A_594 = tpu.memref_slice %arg6[%dma_wait3A_590, %dma_wait3A_592, %dma_wait3A_593] : memref<2x640x64xf32, #tpu.memory_space<vmem>> -> memref<1x128x64xf32, #tpu.memory_space<vmem>>
      %dma_wait3A_595 = tpu.memref_squeeze %dma_wait3A_594 : memref<1x128x64xf32, #tpu.memory_space<vmem>> -> memref<128x64xf32, #tpu.memory_space<vmem>>
      %dma_wait3A_596 = arith.constant 0 : i32
      %dma_wait3A_597 = tpu.memref_slice %arg5[%add3A_589, %dma_wait3A_596] : memref<200x128xi32, #tpu.memory_space<vmem>> -> memref<1x128xi32, #tpu.memory_space<vmem>>
      %dma_wait3A_598 = tpu.memref_squeeze %dma_wait3A_597 : memref<1x128xi32, #tpu.memory_space<vmem>> -> memref<128xi32, #tpu.memory_space<vmem>>
      %dma_wait3A_599 = arith.constant 0 : i32
      %dma_wait3A_600 = arith.constant 0 : i32
      %dma_wait3A_601 = tpu.memref_slice %arg3[%dma_wait3A_599, %dma_wait3A_600] : memref<1000000x64xf32, #tpu.memory_space<hbm>> -> memref<1000000x64xf32, #tpu.memory_space<hbm>>
      %dma_wait3A_602 = tpu.memref_slice %arg7[%dma_wait3A_591] : memref<2x!tpu.dma_semaphore, #tpu.memory_space<semaphore_mem>> -> memref<1x!tpu.dma_semaphore, #tpu.memory_space<semaphore_mem>>
      %dma_wait3A_603 = tpu.memref_squeeze %dma_wait3A_602 : memref<1x!tpu.dma_semaphore, #tpu.memory_space<semaphore_mem>> -> memref<!tpu.dma_semaphore, #tpu.memory_space<semaphore_mem>>
      tpu.wait_indirect_dma semaphore(%dma_wait3A_603 : memref<!tpu.dma_semaphore, #tpu.memory_space<semaphore_mem>>) src(%dma_wait3A_601 : memref<1000000x64xf32, #tpu.memory_space<hbm>>) dst(%dma_wait3A_595 : memref<128x64xf32, #tpu.memory_space<vmem>>)
      %mul3A_604 = arith.constant 5 : i32
      %mul3A_605 = arith.muli %add3A_399, %mul3A_604 : i32
      %add3A_606 = arith.addi %mul3A_2, %mul3A_605 : i32
      %mul3A_607 = arith.constant 128 : i32
      %mul3A_608 = arith.muli %add3A_606, %mul3A_607 : i32
      %dma_start3A_609 = arith.constant 1 : i32
      %dma_start3A_610 = arith.constant 1 : i32
      %dma_start3A_611 = arith.constant 0 : i32
      %dma_start3A_612 = arith.constant 0 : i32
      %dma_start3A_613 = tpu.memref_slice %arg6[%dma_start3A_609, %dma_start3A_611, %dma_start3A_612] : memref<2x640x64xf32, #tpu.memory_space<vmem>> -> memref<1x640x64xf32, #tpu.memory_space<vmem>>
      %dma_start3A_614 = tpu.memref_squeeze %dma_start3A_613 : memref<1x640x64xf32, #tpu.memory_space<vmem>> -> memref<640x64xf32, #tpu.memory_space<vmem>>
      %dma_start3A_615 = arith.constant 0 : i32
      %dma_start3A_616 = tpu.memref_slice %arg4[%mul3A_608, %dma_start3A_615] : memref<819200x64xf32, #tpu.memory_space<hbm>> -> memref<640x64xf32, #tpu.memory_space<hbm>>
      %dma_start3A_617 = tpu.memref_slice %arg8[%dma_start3A_610] : memref<2x!tpu.dma_semaphore, #tpu.memory_space<semaphore_mem>> -> memref<1x!tpu.dma_semaphore, #tpu.memory_space<semaphore_mem>>
      %dma_start3A_618 = tpu.memref_squeeze %dma_start3A_617 : memref<1x!tpu.dma_semaphore, #tpu.memory_space<semaphore_mem>> -> memref<!tpu.dma_semaphore, #tpu.memory_space<semaphore_mem>>
      %dma_start3A_619 = arith.constant 0 : i32
      %dma_start3A_620 = tpu.memref_slice %arg4[%mul3A_608, %dma_start3A_619] : memref<819200x64xf32, #tpu.memory_space<hbm>> -> memref<640x64xf32, #tpu.memory_space<hbm>>
      %dma_start3A_621 = arith.constant 0 : i32
      %dma_start3A_622 = arith.constant 0 : i32
      %dma_start3A_623 = tpu.memref_slice %arg6[%dma_start3A_609, %dma_start3A_621, %dma_start3A_622] : memref<2x640x64xf32, #tpu.memory_space<vmem>> -> memref<1x640x64xf32, #tpu.memory_space<vmem>>
      %dma_start3A_624 = tpu.memref_squeeze %dma_start3A_623 : memref<1x640x64xf32, #tpu.memory_space<vmem>> -> memref<640x64xf32, #tpu.memory_space<vmem>>
      tpu.enqueue_dma source(%dma_start3A_624 : memref<640x64xf32, #tpu.memory_space<vmem>>) target(%dma_start3A_620 : memref<640x64xf32, #tpu.memory_space<hbm>>) target_semaphore(%dma_start3A_618 : memref<!tpu.dma_semaphore, #tpu.memory_space<semaphore_mem>>)
      %add3A_625 = arith.constant 1 : i32
      %add3A_626 = arith.addi %add3A_397, %add3A_625 : i32
      %sub3A_627 = arith.constant 1 : i32
      %sub3A_628 = arith.subi %add3A_626, %sub3A_627 : i32
      %mul3A_629 = arith.constant 5 : i32
      %mul3A_630 = arith.muli %sub3A_628, %mul3A_629 : i32
      %add3A_631 = arith.addi %mul3A_2, %mul3A_630 : i32
      %mul3A_632 = arith.constant 128 : i32
      %mul3A_633 = arith.muli %add3A_631, %mul3A_632 : i32
      %dma_wait3A_634 = arith.constant 1 : i32
      %dma_wait3A_635 = arith.constant 1 : i32
      %dma_wait3A_636 = arith.constant 0 : i32
      %dma_wait3A_637 = arith.constant 0 : i32
      %dma_wait3A_638 = tpu.memref_slice %arg6[%dma_wait3A_634, %dma_wait3A_636, %dma_wait3A_637] : memref<2x640x64xf32, #tpu.memory_space<vmem>> -> memref<1x640x64xf32, #tpu.memory_space<vmem>>
      %dma_wait3A_639 = tpu.memref_squeeze %dma_wait3A_638 : memref<1x640x64xf32, #tpu.memory_space<vmem>> -> memref<640x64xf32, #tpu.memory_space<vmem>>
      %dma_wait3A_640 = arith.constant 0 : i32
      %dma_wait3A_641 = tpu.memref_slice %arg4[%mul3A_633, %dma_wait3A_640] : memref<819200x64xf32, #tpu.memory_space<hbm>> -> memref<640x64xf32, #tpu.memory_space<hbm>>
      %dma_wait3A_642 = tpu.memref_slice %arg8[%dma_wait3A_635] : memref<2x!tpu.dma_semaphore, #tpu.memory_space<semaphore_mem>> -> memref<1x!tpu.dma_semaphore, #tpu.memory_space<semaphore_mem>>
      %dma_wait3A_643 = tpu.memref_squeeze %dma_wait3A_642 : memref<1x!tpu.dma_semaphore, #tpu.memory_space<semaphore_mem>> -> memref<!tpu.dma_semaphore, #tpu.memory_space<semaphore_mem>>
      %dma_wait3A_644 = arith.constant 0 : i32
      %dma_wait3A_645 = tpu.memref_slice %arg4[%mul3A_633, %dma_wait3A_644] : memref<819200x64xf32, #tpu.memory_space<hbm>> -> memref<640x64xf32, #tpu.memory_space<hbm>>
      %dma_wait3A_646 = arith.constant 0 : i32
      %dma_wait3A_647 = arith.constant 0 : i32
      %dma_wait3A_648 = tpu.memref_slice %arg6[%dma_wait3A_634, %dma_wait3A_646, %dma_wait3A_647] : memref<2x640x64xf32, #tpu.memory_space<vmem>> -> memref<1x640x64xf32, #tpu.memory_space<vmem>>
      %dma_wait3A_649 = tpu.memref_squeeze %dma_wait3A_648 : memref<1x640x64xf32, #tpu.memory_space<vmem>> -> memref<640x64xf32, #tpu.memory_space<vmem>>
      tpu.wait_dma2 semaphore(%dma_wait3A_643 : memref<!tpu.dma_semaphore, #tpu.memory_space<semaphore_mem>>) src(%dma_wait3A_649 : memref<640x64xf32, #tpu.memory_space<vmem>>) dst(%dma_wait3A_645 : memref<640x64xf32, #tpu.memory_space<hbm>>)
      %add3A_650 = arith.constant 1 : i32
      %add3A_651 = arith.addi %add3A_626, %add3A_650 : i32
      %mul3A_652 = arith.constant 5 : i32
      %mul3A_653 = arith.muli %add3A_651, %mul3A_652 : i32
      %add3A_654 = arith.constant 0 : i32
      %add3A_655 = arith.addi %mul3A_653, %add3A_654 : i32
      %dma_start3A_656 = arith.constant 1 : i32
      %dma_start3A_657 = arith.constant 1 : i32
      %dma_start3A_658 = arith.constant 0 : i32
      %dma_start3A_659 = arith.constant 0 : i32
      %dma_start3A_660 = tpu.memref_slice %arg6[%dma_start3A_656, %dma_start3A_658, %dma_start3A_659] : memref<2x640x64xf32, #tpu.memory_space<vmem>> -> memref<1x128x64xf32, #tpu.memory_space<vmem>>
      %dma_start3A_661 = tpu.memref_squeeze %dma_start3A_660 : memref<1x128x64xf32, #tpu.memory_space<vmem>> -> memref<128x64xf32, #tpu.memory_space<vmem>>
      %dma_start3A_662 = arith.constant 0 : i32
      %dma_start3A_663 = tpu.memref_slice %arg5[%add3A_655, %dma_start3A_662] : memref<200x128xi32, #tpu.memory_space<vmem>> -> memref<1x128xi32, #tpu.memory_space<vmem>>
      %dma_start3A_664 = tpu.memref_squeeze %dma_start3A_663 : memref<1x128xi32, #tpu.memory_space<vmem>> -> memref<128xi32, #tpu.memory_space<vmem>>
      %dma_start3A_665 = arith.constant 0 : i32
      %dma_start3A_666 = arith.constant 0 : i32
      %dma_start3A_667 = tpu.memref_slice %arg3[%dma_start3A_665, %dma_start3A_666] : memref<1000000x64xf32, #tpu.memory_space<hbm>> -> memref<1000000x64xf32, #tpu.memory_space<hbm>>
      %dma_start3A_668 = tpu.memref_slice %arg7[%dma_start3A_657] : memref<2x!tpu.dma_semaphore, #tpu.memory_space<semaphore_mem>> -> memref<1x!tpu.dma_semaphore, #tpu.memory_space<semaphore_mem>>
      %dma_start3A_669 = tpu.memref_squeeze %dma_start3A_668 : memref<1x!tpu.dma_semaphore, #tpu.memory_space<semaphore_mem>> -> memref<!tpu.dma_semaphore, #tpu.memory_space<semaphore_mem>>
      tpu.enqueue_indirect_dma source(%dma_start3A_667 : memref<1000000x64xf32, #tpu.memory_space<hbm>>) target(%dma_start3A_661 : memref<128x64xf32, #tpu.memory_space<vmem>>) offsets(%dma_start3A_664 : memref<128xi32, #tpu.memory_space<vmem>>) semaphore(%dma_start3A_669 : memref<!tpu.dma_semaphore, #tpu.memory_space<semaphore_mem>>)
      %mul3A_670 = arith.constant 5 : i32
      %mul3A_671 = arith.muli %add3A_651, %mul3A_670 : i32
      %add3A_672 = arith.constant 1 : i32
      %add3A_673 = arith.addi %mul3A_671, %add3A_672 : i32
      %dma_start3A_674 = arith.constant 1 : i32
      %dma_start3A_675 = arith.constant 1 : i32
      %dma_start3A_676 = arith.constant 128 : i32
      %dma_start3A_677 = arith.constant 0 : i32
      %dma_start3A_678 = tpu.memref_slice %arg6[%dma_start3A_674, %dma_start3A_676, %dma_start3A_677] : memref<2x640x64xf32, #tpu.memory_space<vmem>> -> memref<1x128x64xf32, #tpu.memory_space<vmem>>
      %dma_start3A_679 = tpu.memref_squeeze %dma_start3A_678 : memref<1x128x64xf32, #tpu.memory_space<vmem>> -> memref<128x64xf32, #tpu.memory_space<vmem>>
      %dma_start3A_680 = arith.constant 0 : i32
      %dma_start3A_681 = tpu.memref_slice %arg5[%add3A_673, %dma_start3A_680] : memref<200x128xi32, #tpu.memory_space<vmem>> -> memref<1x128xi32, #tpu.memory_space<vmem>>
      %dma_start3A_682 = tpu.memref_squeeze %dma_start3A_681 : memref<1x128xi32, #tpu.memory_space<vmem>> -> memref<128xi32, #tpu.memory_space<vmem>>
      %dma_start3A_683 = arith.constant 0 : i32
      %dma_start3A_684 = arith.constant 0 : i32
      %dma_start3A_685 = tpu.memref_slice %arg3[%dma_start3A_683, %dma_start3A_684] : memref<1000000x64xf32, #tpu.memory_space<hbm>> -> memref<1000000x64xf32, #tpu.memory_space<hbm>>
      %dma_start3A_686 = tpu.memref_slice %arg7[%dma_start3A_675] : memref<2x!tpu.dma_semaphore, #tpu.memory_space<semaphore_mem>> -> memref<1x!tpu.dma_semaphore, #tpu.memory_space<semaphore_mem>>
      %dma_start3A_687 = tpu.memref_squeeze %dma_start3A_686 : memref<1x!tpu.dma_semaphore, #tpu.memory_space<semaphore_mem>> -> memref<!tpu.dma_semaphore, #tpu.memory_space<semaphore_mem>>
      tpu.enqueue_indirect_dma source(%dma_start3A_685 : memref<1000000x64xf32, #tpu.memory_space<hbm>>) target(%dma_start3A_679 : memref<128x64xf32, #tpu.memory_space<vmem>>) offsets(%dma_start3A_682 : memref<128xi32, #tpu.memory_space<vmem>>) semaphore(%dma_start3A_687 : memref<!tpu.dma_semaphore, #tpu.memory_space<semaphore_mem>>)
      %mul3A_688 = arith.constant 5 : i32
      %mul3A_689 = arith.muli %add3A_651, %mul3A_688 : i32
      %add3A_690 = arith.constant 2 : i32
      %add3A_691 = arith.addi %mul3A_689, %add3A_690 : i32
      %dma_start3A_692 = arith.constant 1 : i32
      %dma_start3A_693 = arith.constant 1 : i32
      %dma_start3A_694 = arith.constant 256 : i32
      %dma_start3A_695 = arith.constant 0 : i32
      %dma_start3A_696 = tpu.memref_slice %arg6[%dma_start3A_692, %dma_start3A_694, %dma_start3A_695] : memref<2x640x64xf32, #tpu.memory_space<vmem>> -> memref<1x128x64xf32, #tpu.memory_space<vmem>>
      %dma_start3A_697 = tpu.memref_squeeze %dma_start3A_696 : memref<1x128x64xf32, #tpu.memory_space<vmem>> -> memref<128x64xf32, #tpu.memory_space<vmem>>
      %dma_start3A_698 = arith.constant 0 : i32
      %dma_start3A_699 = tpu.memref_slice %arg5[%add3A_691, %dma_start3A_698] : memref<200x128xi32, #tpu.memory_space<vmem>> -> memref<1x128xi32, #tpu.memory_space<vmem>>
      %dma_start3A_700 = tpu.memref_squeeze %dma_start3A_699 : memref<1x128xi32, #tpu.memory_space<vmem>> -> memref<128xi32, #tpu.memory_space<vmem>>
      %dma_start3A_701 = arith.constant 0 : i32
      %dma_start3A_702 = arith.constant 0 : i32
      %dma_start3A_703 = tpu.memref_slice %arg3[%dma_start3A_701, %dma_start3A_702] : memref<1000000x64xf32, #tpu.memory_space<hbm>> -> memref<1000000x64xf32, #tpu.memory_space<hbm>>
      %dma_start3A_704 = tpu.memref_slice %arg7[%dma_start3A_693] : memref<2x!tpu.dma_semaphore, #tpu.memory_space<semaphore_mem>> -> memref<1x!tpu.dma_semaphore, #tpu.memory_space<semaphore_mem>>
      %dma_start3A_705 = tpu.memref_squeeze %dma_start3A_704 : memref<1x!tpu.dma_semaphore, #tpu.memory_space<semaphore_mem>> -> memref<!tpu.dma_semaphore, #tpu.memory_space<semaphore_mem>>
      tpu.enqueue_indirect_dma source(%dma_start3A_703 : memref<1000000x64xf32, #tpu.memory_space<hbm>>) target(%dma_start3A_697 : memref<128x64xf32, #tpu.memory_space<vmem>>) offsets(%dma_start3A_700 : memref<128xi32, #tpu.memory_space<vmem>>) semaphore(%dma_start3A_705 : memref<!tpu.dma_semaphore, #tpu.memory_space<semaphore_mem>>)
      %mul3A_706 = arith.constant 5 : i32
      %mul3A_707 = arith.muli %add3A_651, %mul3A_706 : i32
      %add3A_708 = arith.constant 3 : i32
      %add3A_709 = arith.addi %mul3A_707, %add3A_708 : i32
      %dma_start3A_710 = arith.constant 1 : i32
      %dma_start3A_711 = arith.constant 1 : i32
      %dma_start3A_712 = arith.constant 384 : i32
      %dma_start3A_713 = arith.constant 0 : i32
      %dma_start3A_714 = tpu.memref_slice %arg6[%dma_start3A_710, %dma_start3A_712, %dma_start3A_713] : memref<2x640x64xf32, #tpu.memory_space<vmem>> -> memref<1x128x64xf32, #tpu.memory_space<vmem>>
      %dma_start3A_715 = tpu.memref_squeeze %dma_start3A_714 : memref<1x128x64xf32, #tpu.memory_space<vmem>> -> memref<128x64xf32, #tpu.memory_space<vmem>>
      %dma_start3A_716 = arith.constant 0 : i32
      %dma_start3A_717 = tpu.memref_slice %arg5[%add3A_709, %dma_start3A_716] : memref<200x128xi32, #tpu.memory_space<vmem>> -> memref<1x128xi32, #tpu.memory_space<vmem>>
      %dma_start3A_718 = tpu.memref_squeeze %dma_start3A_717 : memref<1x128xi32, #tpu.memory_space<vmem>> -> memref<128xi32, #tpu.memory_space<vmem>>
      %dma_start3A_719 = arith.constant 0 : i32
      %dma_start3A_720 = arith.constant 0 : i32
      %dma_start3A_721 = tpu.memref_slice %arg3[%dma_start3A_719, %dma_start3A_720] : memref<1000000x64xf32, #tpu.memory_space<hbm>> -> memref<1000000x64xf32, #tpu.memory_space<hbm>>
      %dma_start3A_722 = tpu.memref_slice %arg7[%dma_start3A_711] : memref<2x!tpu.dma_semaphore, #tpu.memory_space<semaphore_mem>> -> memref<1x!tpu.dma_semaphore, #tpu.memory_space<semaphore_mem>>
      %dma_start3A_723 = tpu.memref_squeeze %dma_start3A_722 : memref<1x!tpu.dma_semaphore, #tpu.memory_space<semaphore_mem>> -> memref<!tpu.dma_semaphore, #tpu.memory_space<semaphore_mem>>
      tpu.enqueue_indirect_dma source(%dma_start3A_721 : memref<1000000x64xf32, #tpu.memory_space<hbm>>) target(%dma_start3A_715 : memref<128x64xf32, #tpu.memory_space<vmem>>) offsets(%dma_start3A_718 : memref<128xi32, #tpu.memory_space<vmem>>) semaphore(%dma_start3A_723 : memref<!tpu.dma_semaphore, #tpu.memory_space<semaphore_mem>>)
      %mul3A_724 = arith.constant 5 : i32
      %mul3A_725 = arith.muli %add3A_651, %mul3A_724 : i32
      %add3A_726 = arith.constant 4 : i32
      %add3A_727 = arith.addi %mul3A_725, %add3A_726 : i32
      %dma_start3A_728 = arith.constant 1 : i32
      %dma_start3A_729 = arith.constant 1 : i32
      %dma_start3A_730 = arith.constant 512 : i32
      %dma_start3A_731 = arith.constant 0 : i32
      %dma_start3A_732 = tpu.memref_slice %arg6[%dma_start3A_728, %dma_start3A_730, %dma_start3A_731] : memref<2x640x64xf32, #tpu.memory_space<vmem>> -> memref<1x128x64xf32, #tpu.memory_space<vmem>>
      %dma_start3A_733 = tpu.memref_squeeze %dma_start3A_732 : memref<1x128x64xf32, #tpu.memory_space<vmem>> -> memref<128x64xf32, #tpu.memory_space<vmem>>
      %dma_start3A_734 = arith.constant 0 : i32
      %dma_start3A_735 = tpu.memref_slice %arg5[%add3A_727, %dma_start3A_734] : memref<200x128xi32, #tpu.memory_space<vmem>> -> memref<1x128xi32, #tpu.memory_space<vmem>>
      %dma_start3A_736 = tpu.memref_squeeze %dma_start3A_735 : memref<1x128xi32, #tpu.memory_space<vmem>> -> memref<128xi32, #tpu.memory_space<vmem>>
      %dma_start3A_737 = arith.constant 0 : i32
      %dma_start3A_738 = arith.constant 0 : i32
      %dma_start3A_739 = tpu.memref_slice %arg3[%dma_start3A_737, %dma_start3A_738] : memref<1000000x64xf32, #tpu.memory_space<hbm>> -> memref<1000000x64xf32, #tpu.memory_space<hbm>>
      %dma_start3A_740 = tpu.memref_slice %arg7[%dma_start3A_729] : memref<2x!tpu.dma_semaphore, #tpu.memory_space<semaphore_mem>> -> memref<1x!tpu.dma_semaphore, #tpu.memory_space<semaphore_mem>>
      %dma_start3A_741 = tpu.memref_squeeze %dma_start3A_740 : memref<1x!tpu.dma_semaphore, #tpu.memory_space<semaphore_mem>> -> memref<!tpu.dma_semaphore, #tpu.memory_space<semaphore_mem>>
      tpu.enqueue_indirect_dma source(%dma_start3A_739 : memref<1000000x64xf32, #tpu.memory_space<hbm>>) target(%dma_start3A_733 : memref<128x64xf32, #tpu.memory_space<vmem>>) offsets(%dma_start3A_736 : memref<128xi32, #tpu.memory_space<vmem>>) semaphore(%dma_start3A_741 : memref<!tpu.dma_semaphore, #tpu.memory_space<semaphore_mem>>)
      %mul3A_742 = arith.constant 5 : i32
      %mul3A_743 = arith.muli %add3A_626, %mul3A_742 : i32
      %add3A_744 = arith.constant 0 : i32
      %add3A_745 = arith.addi %mul3A_743, %add3A_744 : i32
      %dma_wait3A_746 = arith.constant 0 : i32
      %dma_wait3A_747 = arith.constant 0 : i32
      %dma_wait3A_748 = arith.constant 0 : i32
      %dma_wait3A_749 = arith.constant 0 : i32
      %dma_wait3A_750 = tpu.memref_slice %arg6[%dma_wait3A_746, %dma_wait3A_748, %dma_wait3A_749] : memref<2x640x64xf32, #tpu.memory_space<vmem>> -> memref<1x128x64xf32, #tpu.memory_space<vmem>>
      %dma_wait3A_751 = tpu.memref_squeeze %dma_wait3A_750 : memref<1x128x64xf32, #tpu.memory_space<vmem>> -> memref<128x64xf32, #tpu.memory_space<vmem>>
      %dma_wait3A_752 = arith.constant 0 : i32
      %dma_wait3A_753 = tpu.memref_slice %arg5[%add3A_745, %dma_wait3A_752] : memref<200x128xi32, #tpu.memory_space<vmem>> -> memref<1x128xi32, #tpu.memory_space<vmem>>
      %dma_wait3A_754 = tpu.memref_squeeze %dma_wait3A_753 : memref<1x128xi32, #tpu.memory_space<vmem>> -> memref<128xi32, #tpu.memory_space<vmem>>
      %dma_wait3A_755 = arith.constant 0 : i32
      %dma_wait3A_756 = arith.constant 0 : i32
      %dma_wait3A_757 = tpu.memref_slice %arg3[%dma_wait3A_755, %dma_wait3A_756] : memref<1000000x64xf32, #tpu.memory_space<hbm>> -> memref<1000000x64xf32, #tpu.memory_space<hbm>>
      %dma_wait3A_758 = tpu.memref_slice %arg7[%dma_wait3A_747] : memref<2x!tpu.dma_semaphore, #tpu.memory_space<semaphore_mem>> -> memref<1x!tpu.dma_semaphore, #tpu.memory_space<semaphore_mem>>
      %dma_wait3A_759 = tpu.memref_squeeze %dma_wait3A_758 : memref<1x!tpu.dma_semaphore, #tpu.memory_space<semaphore_mem>> -> memref<!tpu.dma_semaphore, #tpu.memory_space<semaphore_mem>>
      tpu.wait_indirect_dma semaphore(%dma_wait3A_759 : memref<!tpu.dma_semaphore, #tpu.memory_space<semaphore_mem>>) src(%dma_wait3A_757 : memref<1000000x64xf32, #tpu.memory_space<hbm>>) dst(%dma_wait3A_751 : memref<128x64xf32, #tpu.memory_space<vmem>>)
      %mul3A_760 = arith.constant 5 : i32
      %mul3A_761 = arith.muli %add3A_626, %mul3A_760 : i32
      %add3A_762 = arith.constant 1 : i32
      %add3A_763 = arith.addi %mul3A_761, %add3A_762 : i32
      %dma_wait3A_764 = arith.constant 0 : i32
      %dma_wait3A_765 = arith.constant 0 : i32
      %dma_wait3A_766 = arith.constant 128 : i32
      %dma_wait3A_767 = arith.constant 0 : i32
      %dma_wait3A_768 = tpu.memref_slice %arg6[%dma_wait3A_764, %dma_wait3A_766, %dma_wait3A_767] : memref<2x640x64xf32, #tpu.memory_space<vmem>> -> memref<1x128x64xf32, #tpu.memory_space<vmem>>
      %dma_wait3A_769 = tpu.memref_squeeze %dma_wait3A_768 : memref<1x128x64xf32, #tpu.memory_space<vmem>> -> memref<128x64xf32, #tpu.memory_space<vmem>>
      %dma_wait3A_770 = arith.constant 0 : i32
      %dma_wait3A_771 = tpu.memref_slice %arg5[%add3A_763, %dma_wait3A_770] : memref<200x128xi32, #tpu.memory_space<vmem>> -> memref<1x128xi32, #tpu.memory_space<vmem>>
      %dma_wait3A_772 = tpu.memref_squeeze %dma_wait3A_771 : memref<1x128xi32, #tpu.memory_space<vmem>> -> memref<128xi32, #tpu.memory_space<vmem>>
      %dma_wait3A_773 = arith.constant 0 : i32
      %dma_wait3A_774 = arith.constant 0 : i32
      %dma_wait3A_775 = tpu.memref_slice %arg3[%dma_wait3A_773, %dma_wait3A_774] : memref<1000000x64xf32, #tpu.memory_space<hbm>> -> memref<1000000x64xf32, #tpu.memory_space<hbm>>
      %dma_wait3A_776 = tpu.memref_slice %arg7[%dma_wait3A_765] : memref<2x!tpu.dma_semaphore, #tpu.memory_space<semaphore_mem>> -> memref<1x!tpu.dma_semaphore, #tpu.memory_space<semaphore_mem>>
      %dma_wait3A_777 = tpu.memref_squeeze %dma_wait3A_776 : memref<1x!tpu.dma_semaphore, #tpu.memory_space<semaphore_mem>> -> memref<!tpu.dma_semaphore, #tpu.memory_space<semaphore_mem>>
      tpu.wait_indirect_dma semaphore(%dma_wait3A_777 : memref<!tpu.dma_semaphore, #tpu.memory_space<semaphore_mem>>) src(%dma_wait3A_775 : memref<1000000x64xf32, #tpu.memory_space<hbm>>) dst(%dma_wait3A_769 : memref<128x64xf32, #tpu.memory_space<vmem>>)
      %mul3A_778 = arith.constant 5 : i32
      %mul3A_779 = arith.muli %add3A_626, %mul3A_778 : i32
      %add3A_780 = arith.constant 2 : i32
      %add3A_781 = arith.addi %mul3A_779, %add3A_780 : i32
      %dma_wait3A_782 = arith.constant 0 : i32
      %dma_wait3A_783 = arith.constant 0 : i32
      %dma_wait3A_784 = arith.constant 256 : i32
      %dma_wait3A_785 = arith.constant 0 : i32
      %dma_wait3A_786 = tpu.memref_slice %arg6[%dma_wait3A_782, %dma_wait3A_784, %dma_wait3A_785] : memref<2x640x64xf32, #tpu.memory_space<vmem>> -> memref<1x128x64xf32, #tpu.memory_space<vmem>>
      %dma_wait3A_787 = tpu.memref_squeeze %dma_wait3A_786 : memref<1x128x64xf32, #tpu.memory_space<vmem>> -> memref<128x64xf32, #tpu.memory_space<vmem>>
      %dma_wait3A_788 = arith.constant 0 : i32
      %dma_wait3A_789 = tpu.memref_slice %arg5[%add3A_781, %dma_wait3A_788] : memref<200x128xi32, #tpu.memory_space<vmem>> -> memref<1x128xi32, #tpu.memory_space<vmem>>
      %dma_wait3A_790 = tpu.memref_squeeze %dma_wait3A_789 : memref<1x128xi32, #tpu.memory_space<vmem>> -> memref<128xi32, #tpu.memory_space<vmem>>
      %dma_wait3A_791 = arith.constant 0 : i32
      %dma_wait3A_792 = arith.constant 0 : i32
      %dma_wait3A_793 = tpu.memref_slice %arg3[%dma_wait3A_791, %dma_wait3A_792] : memref<1000000x64xf32, #tpu.memory_space<hbm>> -> memref<1000000x64xf32, #tpu.memory_space<hbm>>
      %dma_wait3A_794 = tpu.memref_slice %arg7[%dma_wait3A_783] : memref<2x!tpu.dma_semaphore, #tpu.memory_space<semaphore_mem>> -> memref<1x!tpu.dma_semaphore, #tpu.memory_space<semaphore_mem>>
      %dma_wait3A_795 = tpu.memref_squeeze %dma_wait3A_794 : memref<1x!tpu.dma_semaphore, #tpu.memory_space<semaphore_mem>> -> memref<!tpu.dma_semaphore, #tpu.memory_space<semaphore_mem>>
      tpu.wait_indirect_dma semaphore(%dma_wait3A_795 : memref<!tpu.dma_semaphore, #tpu.memory_space<semaphore_mem>>) src(%dma_wait3A_793 : memref<1000000x64xf32, #tpu.memory_space<hbm>>) dst(%dma_wait3A_787 : memref<128x64xf32, #tpu.memory_space<vmem>>)
      %mul3A_796 = arith.constant 5 : i32
      %mul3A_797 = arith.muli %add3A_626, %mul3A_796 : i32
      %add3A_798 = arith.constant 3 : i32
      %add3A_799 = arith.addi %mul3A_797, %add3A_798 : i32
      %dma_wait3A_800 = arith.constant 0 : i32
      %dma_wait3A_801 = arith.constant 0 : i32
      %dma_wait3A_802 = arith.constant 384 : i32
      %dma_wait3A_803 = arith.constant 0 : i32
      %dma_wait3A_804 = tpu.memref_slice %arg6[%dma_wait3A_800, %dma_wait3A_802, %dma_wait3A_803] : memref<2x640x64xf32, #tpu.memory_space<vmem>> -> memref<1x128x64xf32, #tpu.memory_space<vmem>>
      %dma_wait3A_805 = tpu.memref_squeeze %dma_wait3A_804 : memref<1x128x64xf32, #tpu.memory_space<vmem>> -> memref<128x64xf32, #tpu.memory_space<vmem>>
      %dma_wait3A_806 = arith.constant 0 : i32
      %dma_wait3A_807 = tpu.memref_slice %arg5[%add3A_799, %dma_wait3A_806] : memref<200x128xi32, #tpu.memory_space<vmem>> -> memref<1x128xi32, #tpu.memory_space<vmem>>
      %dma_wait3A_808 = tpu.memref_squeeze %dma_wait3A_807 : memref<1x128xi32, #tpu.memory_space<vmem>> -> memref<128xi32, #tpu.memory_space<vmem>>
      %dma_wait3A_809 = arith.constant 0 : i32
      %dma_wait3A_810 = arith.constant 0 : i32
      %dma_wait3A_811 = tpu.memref_slice %arg3[%dma_wait3A_809, %dma_wait3A_810] : memref<1000000x64xf32, #tpu.memory_space<hbm>> -> memref<1000000x64xf32, #tpu.memory_space<hbm>>
      %dma_wait3A_812 = tpu.memref_slice %arg7[%dma_wait3A_801] : memref<2x!tpu.dma_semaphore, #tpu.memory_space<semaphore_mem>> -> memref<1x!tpu.dma_semaphore, #tpu.memory_space<semaphore_mem>>
      %dma_wait3A_813 = tpu.memref_squeeze %dma_wait3A_812 : memref<1x!tpu.dma_semaphore, #tpu.memory_space<semaphore_mem>> -> memref<!tpu.dma_semaphore, #tpu.memory_space<semaphore_mem>>
      tpu.wait_indirect_dma semaphore(%dma_wait3A_813 : memref<!tpu.dma_semaphore, #tpu.memory_space<semaphore_mem>>) src(%dma_wait3A_811 : memref<1000000x64xf32, #tpu.memory_space<hbm>>) dst(%dma_wait3A_805 : memref<128x64xf32, #tpu.memory_space<vmem>>)
      %mul3A_814 = arith.constant 5 : i32
      %mul3A_815 = arith.muli %add3A_626, %mul3A_814 : i32
      %add3A_816 = arith.constant 4 : i32
      %add3A_817 = arith.addi %mul3A_815, %add3A_816 : i32
      %dma_wait3A_818 = arith.constant 0 : i32
      %dma_wait3A_819 = arith.constant 0 : i32
      %dma_wait3A_820 = arith.constant 512 : i32
      %dma_wait3A_821 = arith.constant 0 : i32
      %dma_wait3A_822 = tpu.memref_slice %arg6[%dma_wait3A_818, %dma_wait3A_820, %dma_wait3A_821] : memref<2x640x64xf32, #tpu.memory_space<vmem>> -> memref<1x128x64xf32, #tpu.memory_space<vmem>>
      %dma_wait3A_823 = tpu.memref_squeeze %dma_wait3A_822 : memref<1x128x64xf32, #tpu.memory_space<vmem>> -> memref<128x64xf32, #tpu.memory_space<vmem>>
      %dma_wait3A_824 = arith.constant 0 : i32
      %dma_wait3A_825 = tpu.memref_slice %arg5[%add3A_817, %dma_wait3A_824] : memref<200x128xi32, #tpu.memory_space<vmem>> -> memref<1x128xi32, #tpu.memory_space<vmem>>
      %dma_wait3A_826 = tpu.memref_squeeze %dma_wait3A_825 : memref<1x128xi32, #tpu.memory_space<vmem>> -> memref<128xi32, #tpu.memory_space<vmem>>
      %dma_wait3A_827 = arith.constant 0 : i32
      %dma_wait3A_828 = arith.constant 0 : i32
      %dma_wait3A_829 = tpu.memref_slice %arg3[%dma_wait3A_827, %dma_wait3A_828] : memref<1000000x64xf32, #tpu.memory_space<hbm>> -> memref<1000000x64xf32, #tpu.memory_space<hbm>>
      %dma_wait3A_830 = tpu.memref_slice %arg7[%dma_wait3A_819] : memref<2x!tpu.dma_semaphore, #tpu.memory_space<semaphore_mem>> -> memref<1x!tpu.dma_semaphore, #tpu.memory_space<semaphore_mem>>
      %dma_wait3A_831 = tpu.memref_squeeze %dma_wait3A_830 : memref<1x!tpu.dma_semaphore, #tpu.memory_space<semaphore_mem>> -> memref<!tpu.dma_semaphore, #tpu.memory_space<semaphore_mem>>
      tpu.wait_indirect_dma semaphore(%dma_wait3A_831 : memref<!tpu.dma_semaphore, #tpu.memory_space<semaphore_mem>>) src(%dma_wait3A_829 : memref<1000000x64xf32, #tpu.memory_space<hbm>>) dst(%dma_wait3A_823 : memref<128x64xf32, #tpu.memory_space<vmem>>)
      %mul3A_832 = arith.constant 5 : i32
      %mul3A_833 = arith.muli %add3A_626, %mul3A_832 : i32
      %add3A_834 = arith.addi %mul3A_2, %mul3A_833 : i32
      %mul3A_835 = arith.constant 128 : i32
      %mul3A_836 = arith.muli %add3A_834, %mul3A_835 : i32
      %dma_start3A_837 = arith.constant 0 : i32
      %dma_start3A_838 = arith.constant 0 : i32
      %dma_start3A_839 = arith.constant 0 : i32
      %dma_start3A_840 = arith.constant 0 : i32
      %dma_start3A_841 = tpu.memref_slice %arg6[%dma_start3A_837, %dma_start3A_839, %dma_start3A_840] : memref<2x640x64xf32, #tpu.memory_space<vmem>> -> memref<1x640x64xf32, #tpu.memory_space<vmem>>
      %dma_start3A_842 = tpu.memref_squeeze %dma_start3A_841 : memref<1x640x64xf32, #tpu.memory_space<vmem>> -> memref<640x64xf32, #tpu.memory_space<vmem>>
      %dma_start3A_843 = arith.constant 0 : i32
      %dma_start3A_844 = tpu.memref_slice %arg4[%mul3A_836, %dma_start3A_843] : memref<819200x64xf32, #tpu.memory_space<hbm>> -> memref<640x64xf32, #tpu.memory_space<hbm>>
      %dma_start3A_845 = tpu.memref_slice %arg8[%dma_start3A_838] : memref<2x!tpu.dma_semaphore, #tpu.memory_space<semaphore_mem>> -> memref<1x!tpu.dma_semaphore, #tpu.memory_space<semaphore_mem>>
      %dma_start3A_846 = tpu.memref_squeeze %dma_start3A_845 : memref<1x!tpu.dma_semaphore, #tpu.memory_space<semaphore_mem>> -> memref<!tpu.dma_semaphore, #tpu.memory_space<semaphore_mem>>
      %dma_start3A_847 = arith.constant 0 : i32
      %dma_start3A_848 = tpu.memref_slice %arg4[%mul3A_836, %dma_start3A_847] : memref<819200x64xf32, #tpu.memory_space<hbm>> -> memref<640x64xf32, #tpu.memory_space<hbm>>
      %dma_start3A_849 = arith.constant 0 : i32
      %dma_start3A_850 = arith.constant 0 : i32
      %dma_start3A_851 = tpu.memref_slice %arg6[%dma_start3A_837, %dma_start3A_849, %dma_start3A_850] : memref<2x640x64xf32, #tpu.memory_space<vmem>> -> memref<1x640x64xf32, #tpu.memory_space<vmem>>
      %dma_start3A_852 = tpu.memref_squeeze %dma_start3A_851 : memref<1x640x64xf32, #tpu.memory_space<vmem>> -> memref<640x64xf32, #tpu.memory_space<vmem>>
      tpu.enqueue_dma source(%dma_start3A_852 : memref<640x64xf32, #tpu.memory_space<vmem>>) target(%dma_start3A_848 : memref<640x64xf32, #tpu.memory_space<hbm>>) target_semaphore(%dma_start3A_846 : memref<!tpu.dma_semaphore, #tpu.memory_space<semaphore_mem>>)
    }
    %scan3A_257 = arith.constant 19 : i32
    %dma_wait3A_258 = arith.constant 195 : i32
    %dma_wait3A_259 = arith.constant 1 : i32
    %dma_wait3A_260 = arith.constant 1 : i32
    %dma_wait3A_261 = arith.constant 0 : i32
    %dma_wait3A_262 = arith.constant 0 : i32
    %dma_wait3A_263 = tpu.memref_slice %arg6[%dma_wait3A_259, %dma_wait3A_261, %dma_wait3A_262] : memref<2x640x64xf32, #tpu.memory_space<vmem>> -> memref<1x128x64xf32, #tpu.memory_space<vmem>>
    %dma_wait3A_264 = tpu.memref_squeeze %dma_wait3A_263 : memref<1x128x64xf32, #tpu.memory_space<vmem>> -> memref<128x64xf32, #tpu.memory_space<vmem>>
    %dma_wait3A_265 = arith.constant 0 : i32
    %dma_wait3A_266 = tpu.memref_slice %arg5[%dma_wait3A_258, %dma_wait3A_265] : memref<200x128xi32, #tpu.memory_space<vmem>> -> memref<1x128xi32, #tpu.memory_space<vmem>>
    %dma_wait3A_267 = tpu.memref_squeeze %dma_wait3A_266 : memref<1x128xi32, #tpu.memory_space<vmem>> -> memref<128xi32, #tpu.memory_space<vmem>>
    %dma_wait3A_268 = arith.constant 0 : i32
    %dma_wait3A_269 = arith.constant 0 : i32
    %dma_wait3A_270 = tpu.memref_slice %arg3[%dma_wait3A_268, %dma_wait3A_269] : memref<1000000x64xf32, #tpu.memory_space<hbm>> -> memref<1000000x64xf32, #tpu.memory_space<hbm>>
    %dma_wait3A_271 = tpu.memref_slice %arg7[%dma_wait3A_260] : memref<2x!tpu.dma_semaphore, #tpu.memory_space<semaphore_mem>> -> memref<1x!tpu.dma_semaphore, #tpu.memory_space<semaphore_mem>>
    %dma_wait3A_272 = tpu.memref_squeeze %dma_wait3A_271 : memref<1x!tpu.dma_semaphore, #tpu.memory_space<semaphore_mem>> -> memref<!tpu.dma_semaphore, #tpu.memory_space<semaphore_mem>>
    tpu.wait_indirect_dma semaphore(%dma_wait3A_272 : memref<!tpu.dma_semaphore, #tpu.memory_space<semaphore_mem>>) src(%dma_wait3A_270 : memref<1000000x64xf32, #tpu.memory_space<hbm>>) dst(%dma_wait3A_264 : memref<128x64xf32, #tpu.memory_space<vmem>>)
    %dma_wait3A_273 = arith.constant 196 : i32
    %dma_wait3A_274 = arith.constant 1 : i32
    %dma_wait3A_275 = arith.constant 1 : i32
    %dma_wait3A_276 = arith.constant 128 : i32
    %dma_wait3A_277 = arith.constant 0 : i32
    %dma_wait3A_278 = tpu.memref_slice %arg6[%dma_wait3A_274, %dma_wait3A_276, %dma_wait3A_277] : memref<2x640x64xf32, #tpu.memory_space<vmem>> -> memref<1x128x64xf32, #tpu.memory_space<vmem>>
    %dma_wait3A_279 = tpu.memref_squeeze %dma_wait3A_278 : memref<1x128x64xf32, #tpu.memory_space<vmem>> -> memref<128x64xf32, #tpu.memory_space<vmem>>
    %dma_wait3A_280 = arith.constant 0 : i32
    %dma_wait3A_281 = tpu.memref_slice %arg5[%dma_wait3A_273, %dma_wait3A_280] : memref<200x128xi32, #tpu.memory_space<vmem>> -> memref<1x128xi32, #tpu.memory_space<vmem>>
    %dma_wait3A_282 = tpu.memref_squeeze %dma_wait3A_281 : memref<1x128xi32, #tpu.memory_space<vmem>> -> memref<128xi32, #tpu.memory_space<vmem>>
    %dma_wait3A_283 = arith.constant 0 : i32
    %dma_wait3A_284 = arith.constant 0 : i32
    %dma_wait3A_285 = tpu.memref_slice %arg3[%dma_wait3A_283, %dma_wait3A_284] : memref<1000000x64xf32, #tpu.memory_space<hbm>> -> memref<1000000x64xf32, #tpu.memory_space<hbm>>
    %dma_wait3A_286 = tpu.memref_slice %arg7[%dma_wait3A_275] : memref<2x!tpu.dma_semaphore, #tpu.memory_space<semaphore_mem>> -> memref<1x!tpu.dma_semaphore, #tpu.memory_space<semaphore_mem>>
    %dma_wait3A_287 = tpu.memref_squeeze %dma_wait3A_286 : memref<1x!tpu.dma_semaphore, #tpu.memory_space<semaphore_mem>> -> memref<!tpu.dma_semaphore, #tpu.memory_space<semaphore_mem>>
    tpu.wait_indirect_dma semaphore(%dma_wait3A_287 : memref<!tpu.dma_semaphore, #tpu.memory_space<semaphore_mem>>) src(%dma_wait3A_285 : memref<1000000x64xf32, #tpu.memory_space<hbm>>) dst(%dma_wait3A_279 : memref<128x64xf32, #tpu.memory_space<vmem>>)
    %dma_wait3A_288 = arith.constant 197 : i32
    %dma_wait3A_289 = arith.constant 1 : i32
    %dma_wait3A_290 = arith.constant 1 : i32
    %dma_wait3A_291 = arith.constant 256 : i32
    %dma_wait3A_292 = arith.constant 0 : i32
    %dma_wait3A_293 = tpu.memref_slice %arg6[%dma_wait3A_289, %dma_wait3A_291, %dma_wait3A_292] : memref<2x640x64xf32, #tpu.memory_space<vmem>> -> memref<1x128x64xf32, #tpu.memory_space<vmem>>
    %dma_wait3A_294 = tpu.memref_squeeze %dma_wait3A_293 : memref<1x128x64xf32, #tpu.memory_space<vmem>> -> memref<128x64xf32, #tpu.memory_space<vmem>>
    %dma_wait3A_295 = arith.constant 0 : i32
    %dma_wait3A_296 = tpu.memref_slice %arg5[%dma_wait3A_288, %dma_wait3A_295] : memref<200x128xi32, #tpu.memory_space<vmem>> -> memref<1x128xi32, #tpu.memory_space<vmem>>
    %dma_wait3A_297 = tpu.memref_squeeze %dma_wait3A_296 : memref<1x128xi32, #tpu.memory_space<vmem>> -> memref<128xi32, #tpu.memory_space<vmem>>
    %dma_wait3A_298 = arith.constant 0 : i32
    %dma_wait3A_299 = arith.constant 0 : i32
    %dma_wait3A_300 = tpu.memref_slice %arg3[%dma_wait3A_298, %dma_wait3A_299] : memref<1000000x64xf32, #tpu.memory_space<hbm>> -> memref<1000000x64xf32, #tpu.memory_space<hbm>>
    %dma_wait3A_301 = tpu.memref_slice %arg7[%dma_wait3A_290] : memref<2x!tpu.dma_semaphore, #tpu.memory_space<semaphore_mem>> -> memref<1x!tpu.dma_semaphore, #tpu.memory_space<semaphore_mem>>
    %dma_wait3A_302 = tpu.memref_squeeze %dma_wait3A_301 : memref<1x!tpu.dma_semaphore, #tpu.memory_space<semaphore_mem>> -> memref<!tpu.dma_semaphore, #tpu.memory_space<semaphore_mem>>
    tpu.wait_indirect_dma semaphore(%dma_wait3A_302 : memref<!tpu.dma_semaphore, #tpu.memory_space<semaphore_mem>>) src(%dma_wait3A_300 : memref<1000000x64xf32, #tpu.memory_space<hbm>>) dst(%dma_wait3A_294 : memref<128x64xf32, #tpu.memory_space<vmem>>)
    %dma_wait3A_303 = arith.constant 198 : i32
    %dma_wait3A_304 = arith.constant 1 : i32
    %dma_wait3A_305 = arith.constant 1 : i32
    %dma_wait3A_306 = arith.constant 384 : i32
    %dma_wait3A_307 = arith.constant 0 : i32
    %dma_wait3A_308 = tpu.memref_slice %arg6[%dma_wait3A_304, %dma_wait3A_306, %dma_wait3A_307] : memref<2x640x64xf32, #tpu.memory_space<vmem>> -> memref<1x128x64xf32, #tpu.memory_space<vmem>>
    %dma_wait3A_309 = tpu.memref_squeeze %dma_wait3A_308 : memref<1x128x64xf32, #tpu.memory_space<vmem>> -> memref<128x64xf32, #tpu.memory_space<vmem>>
    %dma_wait3A_310 = arith.constant 0 : i32
    %dma_wait3A_311 = tpu.memref_slice %arg5[%dma_wait3A_303, %dma_wait3A_310] : memref<200x128xi32, #tpu.memory_space<vmem>> -> memref<1x128xi32, #tpu.memory_space<vmem>>
    %dma_wait3A_312 = tpu.memref_squeeze %dma_wait3A_311 : memref<1x128xi32, #tpu.memory_space<vmem>> -> memref<128xi32, #tpu.memory_space<vmem>>
    %dma_wait3A_313 = arith.constant 0 : i32
    %dma_wait3A_314 = arith.constant 0 : i32
    %dma_wait3A_315 = tpu.memref_slice %arg3[%dma_wait3A_313, %dma_wait3A_314] : memref<1000000x64xf32, #tpu.memory_space<hbm>> -> memref<1000000x64xf32, #tpu.memory_space<hbm>>
    %dma_wait3A_316 = tpu.memref_slice %arg7[%dma_wait3A_305] : memref<2x!tpu.dma_semaphore, #tpu.memory_space<semaphore_mem>> -> memref<1x!tpu.dma_semaphore, #tpu.memory_space<semaphore_mem>>
    %dma_wait3A_317 = tpu.memref_squeeze %dma_wait3A_316 : memref<1x!tpu.dma_semaphore, #tpu.memory_space<semaphore_mem>> -> memref<!tpu.dma_semaphore, #tpu.memory_space<semaphore_mem>>
    tpu.wait_indirect_dma semaphore(%dma_wait3A_317 : memref<!tpu.dma_semaphore, #tpu.memory_space<semaphore_mem>>) src(%dma_wait3A_315 : memref<1000000x64xf32, #tpu.memory_space<hbm>>) dst(%dma_wait3A_309 : memref<128x64xf32, #tpu.memory_space<vmem>>)
    %dma_wait3A_318 = arith.constant 199 : i32
    %dma_wait3A_319 = arith.constant 1 : i32
    %dma_wait3A_320 = arith.constant 1 : i32
    %dma_wait3A_321 = arith.constant 512 : i32
    %dma_wait3A_322 = arith.constant 0 : i32
    %dma_wait3A_323 = tpu.memref_slice %arg6[%dma_wait3A_319, %dma_wait3A_321, %dma_wait3A_322] : memref<2x640x64xf32, #tpu.memory_space<vmem>> -> memref<1x128x64xf32, #tpu.memory_space<vmem>>
    %dma_wait3A_324 = tpu.memref_squeeze %dma_wait3A_323 : memref<1x128x64xf32, #tpu.memory_space<vmem>> -> memref<128x64xf32, #tpu.memory_space<vmem>>
    %dma_wait3A_325 = arith.constant 0 : i32
    %dma_wait3A_326 = tpu.memref_slice %arg5[%dma_wait3A_318, %dma_wait3A_325] : memref<200x128xi32, #tpu.memory_space<vmem>> -> memref<1x128xi32, #tpu.memory_space<vmem>>
    %dma_wait3A_327 = tpu.memref_squeeze %dma_wait3A_326 : memref<1x128xi32, #tpu.memory_space<vmem>> -> memref<128xi32, #tpu.memory_space<vmem>>
    %dma_wait3A_328 = arith.constant 0 : i32
    %dma_wait3A_329 = arith.constant 0 : i32
    %dma_wait3A_330 = tpu.memref_slice %arg3[%dma_wait3A_328, %dma_wait3A_329] : memref<1000000x64xf32, #tpu.memory_space<hbm>> -> memref<1000000x64xf32, #tpu.memory_space<hbm>>
    %dma_wait3A_331 = tpu.memref_slice %arg7[%dma_wait3A_320] : memref<2x!tpu.dma_semaphore, #tpu.memory_space<semaphore_mem>> -> memref<1x!tpu.dma_semaphore, #tpu.memory_space<semaphore_mem>>
    %dma_wait3A_332 = tpu.memref_squeeze %dma_wait3A_331 : memref<1x!tpu.dma_semaphore, #tpu.memory_space<semaphore_mem>> -> memref<!tpu.dma_semaphore, #tpu.memory_space<semaphore_mem>>
    tpu.wait_indirect_dma semaphore(%dma_wait3A_332 : memref<!tpu.dma_semaphore, #tpu.memory_space<semaphore_mem>>) src(%dma_wait3A_330 : memref<1000000x64xf32, #tpu.memory_space<hbm>>) dst(%dma_wait3A_324 : memref<128x64xf32, #tpu.memory_space<vmem>>)
    %add3A_333 = arith.constant 195 : i32
    %add3A_334 = arith.addi %mul3A_2, %add3A_333 : i32
    %mul3A_335 = arith.constant 128 : i32
    %mul3A_336 = arith.muli %add3A_334, %mul3A_335 : i32
    %dma_start3A_337 = arith.constant 1 : i32
    %dma_start3A_338 = arith.constant 1 : i32
    %dma_start3A_339 = arith.constant 0 : i32
    %dma_start3A_340 = arith.constant 0 : i32
    %dma_start3A_341 = tpu.memref_slice %arg6[%dma_start3A_337, %dma_start3A_339, %dma_start3A_340] : memref<2x640x64xf32, #tpu.memory_space<vmem>> -> memref<1x640x64xf32, #tpu.memory_space<vmem>>
    %dma_start3A_342 = tpu.memref_squeeze %dma_start3A_341 : memref<1x640x64xf32, #tpu.memory_space<vmem>> -> memref<640x64xf32, #tpu.memory_space<vmem>>
    %dma_start3A_343 = arith.constant 0 : i32
    %dma_start3A_344 = tpu.memref_slice %arg4[%mul3A_336, %dma_start3A_343] : memref<819200x64xf32, #tpu.memory_space<hbm>> -> memref<640x64xf32, #tpu.memory_space<hbm>>
    %dma_start3A_345 = tpu.memref_slice %arg8[%dma_start3A_338] : memref<2x!tpu.dma_semaphore, #tpu.memory_space<semaphore_mem>> -> memref<1x!tpu.dma_semaphore, #tpu.memory_space<semaphore_mem>>
    %dma_start3A_346 = tpu.memref_squeeze %dma_start3A_345 : memref<1x!tpu.dma_semaphore, #tpu.memory_space<semaphore_mem>> -> memref<!tpu.dma_semaphore, #tpu.memory_space<semaphore_mem>>
    %dma_start3A_347 = arith.constant 0 : i32
    %dma_start3A_348 = tpu.memref_slice %arg4[%mul3A_336, %dma_start3A_347] : memref<819200x64xf32, #tpu.memory_space<hbm>> -> memref<640x64xf32, #tpu.memory_space<hbm>>
    %dma_start3A_349 = arith.constant 0 : i32
    %dma_start3A_350 = arith.constant 0 : i32
    %dma_start3A_351 = tpu.memref_slice %arg6[%dma_start3A_337, %dma_start3A_349, %dma_start3A_350] : memref<2x640x64xf32, #tpu.memory_space<vmem>> -> memref<1x640x64xf32, #tpu.memory_space<vmem>>
    %dma_start3A_352 = tpu.memref_squeeze %dma_start3A_351 : memref<1x640x64xf32, #tpu.memory_space<vmem>> -> memref<640x64xf32, #tpu.memory_space<vmem>>
    tpu.enqueue_dma source(%dma_start3A_352 : memref<640x64xf32, #tpu.memory_space<vmem>>) target(%dma_start3A_348 : memref<640x64xf32, #tpu.memory_space<hbm>>) target_semaphore(%dma_start3A_346 : memref<!tpu.dma_semaphore, #tpu.memory_space<semaphore_mem>>)
    %add3A_353 = arith.constant 190 : i32
    %add3A_354 = arith.addi %mul3A_2, %add3A_353 : i32
    %mul3A_355 = arith.constant 128 : i32
    %mul3A_356 = arith.muli %add3A_354, %mul3A_355 : i32
    %dma_wait3A_357 = arith.constant 0 : i32
    %dma_wait3A_358 = arith.constant 0 : i32
    %dma_wait3A_359 = arith.constant 0 : i32
    %dma_wait3A_360 = arith.constant 0 : i32
    %dma_wait3A_361 = tpu.memref_slice %arg6[%dma_wait3A_357, %dma_wait3A_359, %dma_wait3A_360] : memref<2x640x64xf32, #tpu.memory_space<vmem>> -> memref<1x640x64xf32, #tpu.memory_space<vmem>>
    %dma_wait3A_362 = tpu.memref_squeeze %dma_wait3A_361 : memref<1x640x64xf32, #tpu.memory_space<vmem>> -> memref<640x64xf32, #tpu.memory_space<vmem>>
    %dma_wait3A_363 = arith.constant 0 : i32
    %dma_wait3A_364 = tpu.memref_slice %arg4[%mul3A_356, %dma_wait3A_363] : memref<819200x64xf32, #tpu.memory_space<hbm>> -> memref<640x64xf32, #tpu.memory_space<hbm>>
    %dma_wait3A_365 = tpu.memref_slice %arg8[%dma_wait3A_358] : memref<2x!tpu.dma_semaphore, #tpu.memory_space<semaphore_mem>> -> memref<1x!tpu.dma_semaphore, #tpu.memory_space<semaphore_mem>>
    %dma_wait3A_366 = tpu.memref_squeeze %dma_wait3A_365 : memref<1x!tpu.dma_semaphore, #tpu.memory_space<semaphore_mem>> -> memref<!tpu.dma_semaphore, #tpu.memory_space<semaphore_mem>>
    %dma_wait3A_367 = arith.constant 0 : i32
    %dma_wait3A_368 = tpu.memref_slice %arg4[%mul3A_356, %dma_wait3A_367] : memref<819200x64xf32, #tpu.memory_space<hbm>> -> memref<640x64xf32, #tpu.memory_space<hbm>>
    %dma_wait3A_369 = arith.constant 0 : i32
    %dma_wait3A_370 = arith.constant 0 : i32
    %dma_wait3A_371 = tpu.memref_slice %arg6[%dma_wait3A_357, %dma_wait3A_369, %dma_wait3A_370] : memref<2x640x64xf32, #tpu.memory_space<vmem>> -> memref<1x640x64xf32, #tpu.memory_space<vmem>>
    %dma_wait3A_372 = tpu.memref_squeeze %dma_wait3A_371 : memref<1x640x64xf32, #tpu.memory_space<vmem>> -> memref<640x64xf32, #tpu.memory_space<vmem>>
    tpu.wait_dma2 semaphore(%dma_wait3A_366 : memref<!tpu.dma_semaphore, #tpu.memory_space<semaphore_mem>>) src(%dma_wait3A_372 : memref<640x64xf32, #tpu.memory_space<vmem>>) dst(%dma_wait3A_368 : memref<640x64xf32, #tpu.memory_space<hbm>>)
    %add3A_373 = arith.constant 195 : i32
    %add3A_374 = arith.addi %mul3A_2, %add3A_373 : i32
    %mul3A_375 = arith.constant 128 : i32
    %mul3A_376 = arith.muli %add3A_374, %mul3A_375 : i32
    %dma_wait3A_377 = arith.constant 1 : i32
    %dma_wait3A_378 = arith.constant 1 : i32
    %dma_wait3A_379 = arith.constant 0 : i32
    %dma_wait3A_380 = arith.constant 0 : i32
    %dma_wait3A_381 = tpu.memref_slice %arg6[%dma_wait3A_377, %dma_wait3A_379, %dma_wait3A_380] : memref<2x640x64xf32, #tpu.memory_space<vmem>> -> memref<1x640x64xf32, #tpu.memory_space<vmem>>
    %dma_wait3A_382 = tpu.memref_squeeze %dma_wait3A_381 : memref<1x640x64xf32, #tpu.memory_space<vmem>> -> memref<640x64xf32, #tpu.memory_space<vmem>>
    %dma_wait3A_383 = arith.constant 0 : i32
    %dma_wait3A_384 = tpu.memref_slice %arg4[%mul3A_376, %dma_wait3A_383] : memref<819200x64xf32, #tpu.memory_space<hbm>> -> memref<640x64xf32, #tpu.memory_space<hbm>>
    %dma_wait3A_385 = tpu.memref_slice %arg8[%dma_wait3A_378] : memref<2x!tpu.dma_semaphore, #tpu.memory_space<semaphore_mem>> -> memref<1x!tpu.dma_semaphore, #tpu.memory_space<semaphore_mem>>
    %dma_wait3A_386 = tpu.memref_squeeze %dma_wait3A_385 : memref<1x!tpu.dma_semaphore, #tpu.memory_space<semaphore_mem>> -> memref<!tpu.dma_semaphore, #tpu.memory_space<semaphore_mem>>
    %dma_wait3A_387 = arith.constant 0 : i32
    %dma_wait3A_388 = tpu.memref_slice %arg4[%mul3A_376, %dma_wait3A_387] : memref<819200x64xf32, #tpu.memory_space<hbm>> -> memref<640x64xf32, #tpu.memory_space<hbm>>
    %dma_wait3A_389 = arith.constant 0 : i32
    %dma_wait3A_390 = arith.constant 0 : i32
    %dma_wait3A_391 = tpu.memref_slice %arg6[%dma_wait3A_377, %dma_wait3A_389, %dma_wait3A_390] : memref<2x640x64xf32, #tpu.memory_space<vmem>> -> memref<1x640x64xf32, #tpu.memory_space<vmem>>
    %dma_wait3A_392 = tpu.memref_squeeze %dma_wait3A_391 : memref<1x640x64xf32, #tpu.memory_space<vmem>> -> memref<640x64xf32, #tpu.memory_space<vmem>>
    tpu.wait_dma2 semaphore(%dma_wait3A_386 : memref<!tpu.dma_semaphore, #tpu.memory_space<semaphore_mem>>) src(%dma_wait3A_392 : memref<640x64xf32, #tpu.memory_space<vmem>>) dst(%dma_wait3A_388 : memref<640x64xf32, #tpu.memory_space<hbm>>)
    return
  }
}

</mosaic_0001>

<sc_bundles>
// kernel: kernel.3.cloned.1.call-start
scs
__scs_entry_jumppad:
0x0: {  	(pc) =	sbr.rel $0x88, $3  }
0x1: {  	(tag) =	ssettag $0x0;
	lr =	simm.s32 $0x1  }
0x2: {  	[smem:$0x3F9F] =	sst lr;
	_ =	strace $0xD0000000  }
0x3: {  	_ = 	snop  }
0x4: {  	_ = 	snop  }
0x5: {  	_ = 	snop  }
0x6: {  	_ = 	snop  }
0x7: {  	_ = 	snop  }
__scs_overlays_trampoline_lowered:
0x8: {  	[smem:$0x3FAE] =	sst s0  }
0x9: {  	[smem:$0x3FAF] =	sst s1  }
0xa: {  	[smem:$0x3FB0] =	sst s2  }
0xb: {  	[smem:$0x3FB1] =	sst s3  }
0xc: {  	[smem:$0x3FB2] =	sst s4  }
0xd: {  	[smem:$0x3FB3] =	sst s5  }
0xe: {  	[smem:$0x3FB4] =	sst s6  }
0xf: {  	[smem:$0x3FB5] =	sst s7  }
0x10: {  	[smem:$0x3FB6] =	sst s8  }
0x11: {  	[smem:$0x3FB7] =	sst s9;
	s0 =	simm.s32 @!p0 $0x0  }
0x12: {  	s1 =	sld [smem:$0x3F9D];
	s0 =	simm.s32 @p0 $0x1  }
0x13: {  	[smem:$0x3FB8] =	sst s0;
	s0 =	simm.s32 @!p1 $0x0  }
0x14: {  	s2 =	sld [smem:$0x3F9C];
	s0 =	simm.s32 @p1 $0x1  }
0x15: {  	[smem:$0x3FB9] =	sst s0;
	s0 =	simm.s32 @!p2 $0x0  }
0x16: {  	s3 =	sld [smem:$0x3FDB];
	s0 =	simm.s32 @p2 $0x1  }
0x17: {  	s4 =	simm.s32 $0x1BF5;
	[smem:$0x3FBB] =	sst s0  }
0x18: {  	s0 =	sld [smem:$0x3F9E];
	_ =	swait.ge [sflag:s4], $0x0  }
0x19: {  	s7 =	sld [smem:$0x3F9F]  }
0x1a: {  	s8 =	sadd.s32 $0xFFFFE003, lr  }
0x1b: {  	s9 =	sadd.s32 $0xFFFFFEF7, lr;
	s5 =	simm.s32 $0xFFFFFFFF;
	p2 =	slt.u32 s8, $0xFFFFF086  }
0x1c: {  	p1 =	slt.u32 s9, $0xF7A;
	s5 =	simm.s32 @!p2 $0x0  }
0x1d: {  	s5 =	simm.s32 @p1 $0x1;
	p0 =	seq.s32 s7, s2  }
0x1e: {  	s7 =	smul.u32 @!p0 $0xF7A, s2;
	p2 =	seq.s32 @!p0 s5, $0x0  }
0x1f: {  	s9 =	smul.u32 $0xF7A, s1;
	s8 =	simm.s32 @!p0 $0x1BF5;
	p2 =	por !p2, p0  }
0x20: {  	[sflag:s8] =	ssyncset.s32 @!p0 $0xFFFFF086;
	s6 =	sadd.s32 @!p0 s3, s7;
	s7 =	simm.s32 @!p0 $0x108  }
0x21: {  	s3 =	sadd.s32 s3, s9;
	s6 =	sadd.s32 @!p0 $0x88, s6;
	s7 =	simm.s32 @p2 $0x1082  }
0x22: {  	[simem:s7], [sflag:s8] =	dma.local @!p0 [hbm:s6], $0xF7A  }
0x23: {  	s9 =	sor.u32 $0xD0000000, s2;
	s6 =	simm.s32 $0x108;
	_ =	swait.ge @!p0 [sflag:s8], $0x0  }
0x24: {  	s3 =	sadd.s32 $0x88, s3;
	s6 =	simm.s32 @!p1 $0x1082;
	[sflag:s4] =	ssyncset.s32 $0xFFFFF086  }
0x25: {  	[simem:s6], [sflag:s4] =	dma.local [hbm:s3], $0xF7A  }
0x26: {  	[smem:$0x3F9F] =	sst s1;
	(tag) =	ssettag s2;
	_ =	strace s9  }
0x27: {  	s1 =	sld [smem:$0x3FAF]  }
0x28: {  	s2 =	sld [smem:$0x3FB0]  }
0x29: {  	s4 =	sld [smem:$0x3FB2]  }
0x2a: {  	p0 =	seq.s32 s5, $0x0;
	s5 =	sld [smem:$0x3FB3]  }
0x2b: {  	s6 =	sld [smem:$0x3FB4]  }
0x2c: {  	s7 =	sld [smem:$0x3FB5]  }
0x2d: {  	s3 =	simm.s32 $0x108;
	s8 =	sld [smem:$0x3FB6]  }
0x2e: {  	s3 =	simm.s32 @!p0 $0x1082;
	s9 =	sld [smem:$0x3FB7]  }
0x2f: {  	lr =	sadd.s32 s0, s3;
	s0 =	sld [smem:$0x3FAE]  }
0x30: {  	s3 =	sld [smem:$0x3FB1]  }
0x31: {  	[smem:$0x3FBA] =	sst s10  }
0x32: {  	s10 =	sld [smem:$0x3FB8];
	_ =	sdelay $0x3  }
0x33: {  	p0 =	seq.s32 s10, $0x1;
	s10 =	sld [smem:$0x3FBA];
	_ =	sdelay $0x3  }
0x34: {  	[smem:$0x3FBA] =	sst s10  }
0x35: {  	s10 =	sld [smem:$0x3FB9];
	_ =	sdelay $0x3  }
0x36: {  	p1 =	seq.s32 s10, $0x1;
	s10 =	sld [smem:$0x3FBA];
	_ =	sdelay $0x3  }
0x37: {  	[smem:$0x3FBA] =	sst s10  }
0x38: {  	s10 =	sld [smem:$0x3FBB]  }
0x39: {  	_ = 	snop;
	(pc) =	sbr.ind lr, $3  }
0x3a: {  	_ = 	snop  }
0x3b: {  	_ = 	snop  }
0x3c: {  	p2 =	seq.s32 s10, $0x1;
	s10 =	sld [smem:$0x3FBA]  }
0x3d: {  	_ =	shalt  }
0x3e: {  	_ =	shalt  }
0x3f: {  	_ =	shalt  }
0x40: {  	_ =	shalt  }
0x41: {  	_ =	shalt  }
0x42: {  	_ =	shalt  }
0x43: {  	_ =	shalt  }
0x44: {  	_ =	shalt  }
0x45: {  	_ =	shalt  }
0x46: {  	_ =	shalt  }
0x47: {  	_ =	shalt  }
0x48: {  	_ =	shalt  }
0x49: {  	_ =	shalt  }
0x4a: {  	_ =	shalt  }
0x4b: {  	_ =	shalt  }
0x4c: {  	_ =	shalt  }
0x4d: {  	_ =	shalt  }
0x4e: {  	_ =	shalt  }
0x4f: {  	_ =	shalt  }
0x50: {  	_ =	shalt  }
0x51: {  	_ =	shalt  }
0x52: {  	_ =	shalt  }
0x53: {  	_ =	shalt  }
0x54: {  	_ =	shalt  }
0x55: {  	_ =	shalt  }
0x56: {  	_ =	shalt  }
0x57: {  	_ =	shalt  }
0x58: {  	_ =	shalt  }
0x59: {  	_ =	shalt  }
0x5a: {  	_ =	shalt  }
0x5b: {  	_ =	shalt  }
0x5c: {  	_ =	shalt  }
0x5d: {  	_ =	shalt  }
0x5e: {  	_ =	shalt  }
0x5f: {  	_ =	shalt  }
0x60: {  	_ =	shalt  }
0x61: {  	_ =	shalt  }
0x62: {  	_ =	shalt  }
0x63: {  	_ =	shalt  }
0x64: {  	_ =	shalt  }
0x65: {  	_ =	shalt  }
0x66: {  	_ =	shalt  }
0x67: {  	_ =	shalt  }
0x68: {  	_ =	shalt  }
0x69: {  	_ =	shalt  }
0x6a: {  	_ =	shalt  }
0x6b: {  	_ =	shalt  }
0x6c: {  	_ =	shalt  }
0x6d: {  	_ =	shalt  }
0x6e: {  	_ =	shalt  }
0x6f: {  	_ =	shalt  }
0x70: {  	_ =	shalt  }
0x71: {  	_ =	shalt  }
0x72: {  	_ =	shalt  }
0x73: {  	_ =	shalt  }
0x74: {  	_ =	shalt  }
0x75: {  	_ =	shalt  }
0x76: {  	_ =	shalt  }
0x77: {  	_ =	shalt  }
0x78: {  	_ =	shalt  }
0x79: {  	_ =	shalt  }
0x7a: {  	_ =	shalt  }
0x7b: {  	_ =	shalt  }
0x7c: {  	_ =	shalt  }
0x7d: {  	_ =	shalt  }
0x7e: {  	_ =	shalt  }
0x7f: {  	_ =	shalt  }
0x80: {  	_ =	shalt  }
0x81: {  	_ =	shalt  }
0x82: {  	_ =	shalt  }
0x83: {  	_ =	shalt  }
0x84: {  	_ =	shalt  }
0x85: {  	_ =	shalt  }
0x86: {  	_ =	shalt  }
0x87: {  	_ =	shalt  }
.Lfunc_end0:
.L_simem_size_0:
called_computation.1_lowered:
.L_overlay_start_0:
0x88: {  	s2 =	sld [smem:$0x3FD9]  }
0x89: {  	s3 =	sld [smem:$0x3FFE];
	_ =	sdelay $0x1  }
0x8a: {  	s1 =	srdreg.scid  }
0x8b: {  	s0 =	sand.u32 $0x1, s1  }
0x8c: {  	s17 =	sshll.u32 s0, $0xA;
	s2 =	sadd.s32 s3, s2  }
0x8d: {  	s2 =	sadd.s32 s2, s17  }
0x8e: {  	[smem:$0x3FC6] =	sst s2  }
0x8f: {  	_ = 	snop  }
0x90: {  	s2 =	sld [smem:$0x3FD0];
	(tm) =	ssettm $0x1  }
0x91: {  	s18 =	sld [smem:$0x3FFB];
	_ =	sdelay $0x3  }
0x92: {  	_ =	strace s18  }
0x93: {  	s3 =	sld [smem:$0x3FFC];
	_ =	sdelay $0x3  }
0x94: {  	_ =	strace s3  }
0x95: {  	s3 =	sld [smem:$0x3FFD];
	_ =	sdelay $0x3  }
0x96: {  	_ =	strace s3  }
0x97: {  	_ =	strace $0x8FFFFFFF  }
0x98: {  	s19 =	sld [smem:$0x3FDB];
	_ =	sdelay $0x1  }
0x99: {  	s4 =	simm.s32 $_scs_section_size  }
0x9a: {  	s5 =	simm.s32 $_size__tile_overlayer_lowered;
	s6 =	simm.s32 $_tile_overlayer_lowered  }
0x9b: {  	s22 =	simm.s32 $0x1BFF;
	s21 =	sshll.u32 s6, $0x1;
	s3 =	sadd.s32 s4, s19  }
0x9c: {  	s7 =	simm.s32 $0x0;
	s20 =	sshll.u32 s5, $0x1;
	s5 =	sadd.s32 s21, s3  }
0x9d: {  	[timem:s7], [sflag:s22] =	dma.local [hbm:s5], s20  }
0x9e: {  	_ =	swait.ge [sflag:s22], s20  }
0x9f: {  	s4 =	ssub.s32 $0x0, s20;
	[sflag:s22] =	ssyncset.done $0x0  }
0xa0: {  	[sflag:s22] =	ssyncadd.s32 s4;
	_ =	sdelay $0x1  }
0xa1: {  	s23 =	simm.s32 $0x1B8B  }
0xa2: {  	_ =	swait.ge [sflag:s23], $0x1  }
0xa3: {  	[sflag:s23] =	ssyncset.done $0x0  }
0xa4: {  	s25 =	simm.s32 $0x1B8E;
	s24 =	sld [smem:$0x3FFE];
	[sflag:s23] =	ssyncadd.s32 $0xFFFFFFFF  }
0xa5: {  	s26 =	simm.s32 $execute0_lowered;
	[smem:$0x3FD2] =	sst s25  }
0xa6: {  	s5 =	sshll.u32 s26, $0x1;
	_ =	strace $0x80000046;
	[dreg:$0x1] =	wrdreg $0xFFFFFFFF  }
0xa7: {  	s28 =	simm.s32 $_size_execute0_lowered;
	s3 =	sadd.s32 s3, s5;
	[dreg:$0x0] =	wrdreg $0x0  }
0xa8: {  	s5 =	sshll.u32 s28, $0x1;
	[dreg:$0x2] =	wrdreg s3  }
0xa9: {  	[dreg:$0x3] =	wrdreg s5  }
0xaa: {  	[dreg:$0x4] =	wrdreg $0xC0  }
0xab: {  	_ =	task [dreg:s7], $0x5FFFF  }
0xac: {  	[dreg:$0x1] =	wrdreg $0xFFFFFFFF  }
0xad: {  	[dreg:$0x0] =	wrdreg $0x60  }
0xae: {  	[dreg:$0x2] =	wrdreg s24  }
0xaf: {  	[dreg:$0x3] =	wrdreg s2  }
0xb0: {  	[dreg:$0x4] =	wrdreg $0x9  }
0xb1: {  	_ =	task.clear_ibuf [dreg:s7], $0x5FFFF;
	_ =	strace $0x90000046  }
0xb2: {  	s29 =	simm.s32 $0x9;
	_ =	strace $0x80000048  }
0xb3: {  	_ =	swait.ge [sflag:s29], $0x1  }
0xb4: {  	[sflag:s29] =	ssyncadd.s32 $0xFFFFFFFF  }
0xb5: {  	_ =	strace $0x90000048  }
0xb6: {  	_ =	sfence  }
0xb7: {  	s30 =	sld [smem:$0x0];
	_ =	sdelay $0x2  }
0xb8: {  	s31 =	sshll.u32 s1, $0xD;
	s1 =	sshrl.u32 s1, $0x2  }
0xb9: {  	s3 =	sand.u32 $0x4000, s31;
	s1 =	sadd.s32 s1, s30  }
0xba: {  	s0 =	sor.u32 s3, s0;
	s1 =	sshll.u32 s1, $0x11  }
0xbb: {  	s0 =	sor.u32 s1, s0  }
0xbc: {  	s0 =	sadd.s32 $0x8F2B, s0  }
0xbd: {  	[sflag:s0] =	ssyncadd.remote.s32 $0x1  }
0xbe: {  	_ =	sfence.sel $0xFFFF  }
0xbf: {  	[dreg:$0x0] =	wrdreg $0xFFFFFFFF;
	(pc) =	sbr.abs _section_cstart, $3  }
0xc0: {  	[dreg:$0x1] =	wrdreg $0xFFFFFFFF  }
0xc1: {  	_ =	task.clear_ibuf [dreg:s7], $0x2FFFF;
	_ =	strace $0x9FFFFFFF  }
0xc2: {  	(tm) =	ssettm $0x7FFFFFFF  }
0xc3: {  	_ =	shalt  }
tec
execute0_lowered:
.L_overlay_start_1:
0x0: {  	(tag) =	ssettag $0x1  }
0x1: {  	s0 =	srdreg.scid  }
0x2: {  	s7 =	stileid.u32;
	s1 =	rddreg [dreg:$0x0]  }
0x3: {  	s8 =	rddreg [dreg:$0x1];
	s11 =	simm.s32 $0x80;
	s12 =	simm.s32 $0x6400  }
0x4: {  	s13 =	simm.s32 $0x8400;
	s15 =	simm.s32 $0xA400;
	s17 =	simm.s32 $0xC400  }
0x5: {  	s19 =	simm.s32 $0xE400;
	s21 =	simm.s32 $0x10400;
	s23 =	simm.s32 $0x12400  }
0x6: {  	s28 =	simm.s32 $0x16400;
	s30 =	simm.s32 $0x18400;
	s31 =	simm.s32 $0x1  }
0x7: {  	s0 =	sand.u32 $0x1, s0;
	s2 =	sshll.u32 s7, $0x1;
	s7 =	smul.u32 $0x190, s7  }
0x8: {  	s4 =	sor.u32 s0, s2;
	s6 =	ssub.s32 $0x2, s0;
	s0 =	smul.u32 $0xC8, s0  }
0x9: {  	s14 =	simm.s32 $0x4;
	s2 =	simm.s32 $0x0;
	s3 =	smul.u32 $0xC80, s4  }
0xa: {  	s16 =	simm.s32 $0x0;
	[smem:$0x7FF] =	sst s2;
	s5 =	smul.u32 $0x190000, s4  }
0xb: {  	s10 =	sshrl.u32 s6, $0x1;
	s25 =	smul.u32 $0x32000, s4;
	_ =	strace $0x80000047  }
0xc: {  	s24 =	ssub.s32 s6, s10;
	s0 =	sadd.s32 s0, s7;
	s10 =	simm.s32 $0x5  }
0xd: {  	s9 =	sadd.s32 s3, s1;
	s3 =	sadd.s32 $0xF42E00, s1;
	s26 =	sshrl.u32 s5, $0x3  }
0xe: {  	s5 =	sadd.s32 s8, s25;
	s0 =	sshll.u32 s0, $0xA;
	s7 =	smax.u32 s24, $0x1  }
0xf: {  	s25 =	simm.s32 $0x14400;
	s1 =	simm.s32 $0x3;
	s29 =	sadd.s32 s8, s26  }
0x10: {  	s4 =	sadd.s32 $0xA00, s9;
	s0 =	sadd.s32 s0, s8;
	s6 =	sadd.s32 $0x30C00, s29  }
0x11: {  	s8 =	sadd.s32 $0x1400, s0;
	s24 =	sadd.s32 $0x2800, s0;
	s0 =	simm.s32 $0x2  }
.LBB2_1:
0x12: {  	[tilespmem:s2], [sflag:$0x5] =	stream.linear.gather [hbm4b:s4+s2], $0x6400, $0x38;
	[tilespmem:$0x1A400] =	vst v63  }
0x13: {  	_ =	swait.ge [sflag:s10], $0x6400  }
0x14: {  	[sflag:s10] =	ssyncset.done $0x0  }
0x15: {  	[sflag:s10] =	ssyncadd.s32 $0xFFFF9C00  }
0x16: {  	[tilespmem:s12], [sflag:$0x1] =	stream.indirect.gather [hbm4b:s3+s11], $0x40, s2, s11, $0xb8;
	[tilespmem:$0x1A400] =	vst v63  }
0x17: {  	_ = 	snop  }
0x18: {  	[tilespmem:s13], [sflag:$0x1] =	stream.indirect.gather [hbm4b:s3+s11], $0x40, s11, s11, $0xb8;
	[tilespmem:$0x1A400] =	vst v63  }
0x19: {  	s9 =	simm.s32 $0x100  }
0x1a: {  	[tilespmem:s15], [sflag:$0x1] =	stream.indirect.gather [hbm4b:s3+s11], $0x40, s9, s11, $0xb8;
	[tilespmem:$0x1A400] =	vst v63  }
0x1b: {  	s26 =	simm.s32 $0x180  }
0x1c: {  	[tilespmem:s17], [sflag:$0x1] =	stream.indirect.gather [hbm4b:s3+s11], $0x40, s26, s11, $0xb8;
	[tilespmem:$0x1A400] =	vst v63  }
0x1d: {  	s29 =	simm.s32 $0x200  }
0x1e: {  	[tilespmem:s19], [sflag:$0x1] =	stream.indirect.gather [hbm4b:s3+s11], $0x40, s29, s11, $0xb8;
	[tilespmem:$0x1A400] =	vst v63  }
0x1f: {  	s18 =	simm.s32 $0x280  }
0x20: {  	[tilespmem:s21], [sflag:$0x2] =	stream.indirect.gather [hbm4b:s3+s11], $0x40, s18, s11, $0xb8;
	[tilespmem:$0x1A400] =	vst v63  }
0x21: {  	s20 =	simm.s32 $0x300  }
0x22: {  	[tilespmem:s23], [sflag:$0x2] =	stream.indirect.gather [hbm4b:s3+s11], $0x40, s20, s11, $0xb8;
	[tilespmem:$0x1A400] =	vst v63  }
0x23: {  	s22 =	simm.s32 $0x380  }
0x24: {  	[tilespmem:s25], [sflag:$0x2] =	stream.indirect.gather [hbm4b:s3+s11], $0x40, s22, s11, $0xb8;
	[tilespmem:$0x1A400] =	vst v63  }
0x25: {  	s26 =	simm.s32 $0x400  }
0x26: {  	[tilespmem:s28], [sflag:$0x2] =	stream.indirect.gather [hbm4b:s3+s11], $0x40, s26, s11, $0xb8;
	[tilespmem:$0x1A400] =	vst v63  }
0x27: {  	s29 =	simm.s32 $0x480  }
0x28: {  	[tilespmem:s30], [sflag:$0x2] =	stream.indirect.gather [hbm4b:s3+s11], $0x40, s29, s11, $0xb8;
	[tilespmem:$0x1A400] =	vst v63  }
0x29: {  	_ =	swait.ge [sflag:s31], $0x2000  }
0x2a: {  	[sflag:s31] =	ssyncset.done $0x0  }
0x2b: {  	[sflag:s31] =	ssyncadd.s32 $0xFFFFE000  }
0x2c: {  	_ =	swait.ge [sflag:s31], $0x2000  }
0x2d: {  	[sflag:s31] =	ssyncset.done $0x0  }
0x2e: {  	[sflag:s31] =	ssyncadd.s32 $0xFFFFE000  }
0x2f: {  	_ =	swait.ge [sflag:s31], $0x2000  }
0x30: {  	[sflag:s31] =	ssyncset.done $0x0  }
0x31: {  	[sflag:s31] =	ssyncadd.s32 $0xFFFFE000  }
0x32: {  	_ =	swait.ge [sflag:s31], $0x2000  }
0x33: {  	[sflag:s31] =	ssyncset.done $0x0  }
0x34: {  	[sflag:s31] =	ssyncadd.s32 $0xFFFFE000  }
0x35: {  	_ =	swait.ge [sflag:s31], $0x2000  }
0x36: {  	[sflag:s31] =	ssyncset.done $0x0  }
0x37: {  	[sflag:s31] =	ssyncadd.s32 $0xFFFFE000  }
0x38: {  	[hbm4b:s5+s2] =	stream.linear.scatter [tilespmem:s12], [sflag:$0x3], $0xA000, $0x38;
	[tilespmem:$0x1A400] =	vst v63  }
0x39: {  	_ =	swait.ge [sflag:s1], $0xA000  }
0x3a: {  	[sflag:s1] =	ssyncset.done $0x0  }
0x3b: {  	s18 =	simm.s32 $0x500;
	[sflag:s1] =	ssyncadd.s32 $0xFFFF6000  }
0x3c: {  	[tilespmem:s12], [sflag:$0x1] =	stream.indirect.gather [hbm4b:s3+s11], $0x40, s18, s11, $0xb8;
	[tilespmem:$0x1A400] =	vst v63  }
0x3d: {  	s20 =	simm.s32 $0x580  }
0x3e: {  	[tilespmem:s13], [sflag:$0x1] =	stream.indirect.gather [hbm4b:s3+s11], $0x40, s20, s11, $0xb8;
	[tilespmem:$0x1A400] =	vst v63  }
0x3f: {  	s22 =	simm.s32 $0x600  }
0x40: {  	[tilespmem:s15], [sflag:$0x1] =	stream.indirect.gather [hbm4b:s3+s11], $0x40, s22, s11, $0xb8;
	[tilespmem:$0x1A400] =	vst v63  }
0x41: {  	s26 =	simm.s32 $0x680  }
0x42: {  	[tilespmem:s17], [sflag:$0x1] =	stream.indirect.gather [hbm4b:s3+s11], $0x40, s26, s11, $0xb8;
	[tilespmem:$0x1A400] =	vst v63  }
0x43: {  	s29 =	simm.s32 $0x700  }
0x44: {  	[tilespmem:s19], [sflag:$0x1] =	stream.indirect.gather [hbm4b:s3+s11], $0x40, s29, s11, $0xb8;
	[tilespmem:$0x1A400] =	vst v63  }
0x45: {  	_ =	swait.ge [sflag:s0], $0x2000  }
0x46: {  	[sflag:s0] =	ssyncset.done $0x0  }
0x47: {  	[sflag:s0] =	ssyncadd.s32 $0xFFFFE000  }
0x48: {  	_ =	swait.ge [sflag:s0], $0x2000  }
0x49: {  	[sflag:s0] =	ssyncset.done $0x0  }
0x4a: {  	[sflag:s0] =	ssyncadd.s32 $0xFFFFE000  }
0x4b: {  	_ =	swait.ge [sflag:s0], $0x2000  }
0x4c: {  	[sflag:s0] =	ssyncset.done $0x0  }
0x4d: {  	[sflag:s0] =	ssyncadd.s32 $0xFFFFE000  }
0x4e: {  	_ =	swait.ge [sflag:s0], $0x2000  }
0x4f: {  	[sflag:s0] =	ssyncset.done $0x0  }
0x50: {  	[sflag:s0] =	ssyncadd.s32 $0xFFFFE000  }
0x51: {  	_ =	swait.ge [sflag:s0], $0x2000  }
0x52: {  	[sflag:s0] =	ssyncset.done $0x0  }
0x53: {  	[sflag:s0] =	ssyncadd.s32 $0xFFFFE000  }
0x54: {  	[hbm4b:s8+s2] =	stream.linear.scatter [tilespmem:s21], [sflag:$0x4], $0xA000, $0x38;
	[tilespmem:$0x1A400] =	vst v63  }
0x55: {  	_ =	swait.ge [sflag:s14], $0xA000  }
0x56: {  	[sflag:s14] =	ssyncset.done $0x0  }
0x57: {  	s18 =	simm.s32 $0x780;
	[sflag:s14] =	ssyncadd.s32 $0xFFFF6000  }
0x58: {  	[tilespmem:s21], [sflag:$0x2] =	stream.indirect.gather [hbm4b:s3+s11], $0x40, s18, s11, $0xb8;
	[tilespmem:$0x1A400] =	vst v63  }
0x59: {  	s20 =	simm.s32 $0x800  }
0x5a: {  	[tilespmem:s23], [sflag:$0x2] =	stream.indirect.gather [hbm4b:s3+s11], $0x40, s20, s11, $0xb8;
	[tilespmem:$0x1A400] =	vst v63  }
0x5b: {  	s22 =	simm.s32 $0x880  }
0x5c: {  	[tilespmem:s25], [sflag:$0x2] =	stream.indirect.gather [hbm4b:s3+s11], $0x40, s22, s11, $0xb8;
	[tilespmem:$0x1A400] =	vst v63  }
0x5d: {  	s26 =	simm.s32 $0x900  }
0x5e: {  	[tilespmem:s28], [sflag:$0x2] =	stream.indirect.gather [hbm4b:s3+s11], $0x40, s26, s11, $0xb8;
	[tilespmem:$0x1A400] =	vst v63  }
0x5f: {  	s29 =	simm.s32 $0x980  }
0x60: {  	[tilespmem:s30], [sflag:$0x2] =	stream.indirect.gather [hbm4b:s3+s11], $0x40, s29, s11, $0xb8;
	[tilespmem:$0x1A400] =	vst v63  }
0x61: {  	_ =	swait.ge [sflag:s31], $0x2000  }
0x62: {  	[sflag:s31] =	ssyncset.done $0x0  }
0x63: {  	[sflag:s31] =	ssyncadd.s32 $0xFFFFE000  }
0x64: {  	_ =	swait.ge [sflag:s31], $0x2000  }
0x65: {  	[sflag:s31] =	ssyncset.done $0x0  }
0x66: {  	[sflag:s31] =	ssyncadd.s32 $0xFFFFE000  }
0x67: {  	_ =	swait.ge [sflag:s31], $0x2000  }
0x68: {  	[sflag:s31] =	ssyncset.done $0x0  }
0x69: {  	[sflag:s31] =	ssyncadd.s32 $0xFFFFE000  }
0x6a: {  	_ =	swait.ge [sflag:s31], $0x2000  }
0x6b: {  	[sflag:s31] =	ssyncset.done $0x0  }
0x6c: {  	[sflag:s31] =	ssyncadd.s32 $0xFFFFE000  }
0x6d: {  	_ =	swait.ge [sflag:s31], $0x2000  }
0x6e: {  	s9 =	smov.u32 s24;
	s18 =	simm.s32 $0x1400;
	[sflag:s31] =	ssyncset.done $0x0  }
0x6f: {  	s20 =	sadd.s32 $0x2800, s8;
	s22 =	sadd.s32 $0x2800, s24;
	[sflag:s31] =	ssyncadd.s32 $0xFFFFE000  }
.LBB2_2:
0x70: {  	[hbm4b:s9+s2] =	stream.linear.scatter [tilespmem:s12], [sflag:$0x3], $0xA000, $0x38;
	[tilespmem:$0x1A400] =	vst v63  }
0x71: {  	s26 =	smov.u32 s18;
	s9 =	smov.u32 s22  }
0x72: {  	p0 =	sne.s32 s18, $0x16800;
	s18 =	sadd.s32 $0x1400, s18;
	_ =	swait.ge [sflag:s1], $0xA000  }
0x73: {  	s26 =	sshra.s32 s26, $0x2;
	[sflag:s1] =	ssyncset.done $0x0  }
0x74: {  	s29 =	sadd.s32 $0x500, s26;
	[sflag:s1] =	ssyncadd.s32 $0xFFFF6000  }
0x75: {  	[tilespmem:s12], [sflag:$0x1] =	stream.indirect.gather [hbm4b:s3+s11], $0x40, s29, s11, $0xb8;
	[tilespmem:$0x1A400] =	vst v63  }
0x76: {  	s29 =	sadd.s32 $0x580, s26  }
0x77: {  	[tilespmem:s13], [sflag:$0x1] =	stream.indirect.gather [hbm4b:s3+s11], $0x40, s29, s11, $0xb8;
	[tilespmem:$0x1A400] =	vst v63  }
0x78: {  	s29 =	sadd.s32 $0x600, s26  }
0x79: {  	[tilespmem:s15], [sflag:$0x1] =	stream.indirect.gather [hbm4b:s3+s11], $0x40, s29, s11, $0xb8;
	[tilespmem:$0x1A400] =	vst v63  }
0x7a: {  	s29 =	sadd.s32 $0x680, s26  }
0x7b: {  	[tilespmem:s17], [sflag:$0x1] =	stream.indirect.gather [hbm4b:s3+s11], $0x40, s29, s11, $0xb8;
	[tilespmem:$0x1A400] =	vst v63  }
0x7c: {  	s29 =	sadd.s32 $0x700, s26  }
0x7d: {  	[tilespmem:s19], [sflag:$0x1] =	stream.indirect.gather [hbm4b:s3+s11], $0x40, s29, s11, $0xb8;
	[tilespmem:$0x1A400] =	vst v63  }
0x7e: {  	_ =	swait.ge [sflag:s0], $0x2000  }
0x7f: {  	[sflag:s0] =	ssyncset.done $0x0  }
0x80: {  	[sflag:s0] =	ssyncadd.s32 $0xFFFFE000  }
0x81: {  	_ =	swait.ge [sflag:s0], $0x2000  }
0x82: {  	[sflag:s0] =	ssyncset.done $0x0  }
0x83: {  	[sflag:s0] =	ssyncadd.s32 $0xFFFFE000  }
0x84: {  	_ =	swait.ge [sflag:s0], $0x2000  }
0x85: {  	[sflag:s0] =	ssyncset.done $0x0  }
0x86: {  	[sflag:s0] =	ssyncadd.s32 $0xFFFFE000  }
0x87: {  	_ =	swait.ge [sflag:s0], $0x2000  }
0x88: {  	[sflag:s0] =	ssyncset.done $0x0  }
0x89: {  	[sflag:s0] =	ssyncadd.s32 $0xFFFFE000  }
0x8a: {  	_ =	swait.ge [sflag:s0], $0x2000  }
0x8b: {  	[sflag:s0] =	ssyncset.done $0x0  }
0x8c: {  	[sflag:s0] =	ssyncadd.s32 $0xFFFFE000  }
0x8d: {  	[hbm4b:s20+s2] =	stream.linear.scatter [tilespmem:s21], [sflag:$0x4], $0xA000, $0x38;
	[tilespmem:$0x1A400] =	vst v63  }
0x8e: {  	_ =	swait.ge [sflag:s14], $0xA000  }
0x8f: {  	[sflag:s14] =	ssyncset.done $0x0  }
0x90: {  	s29 =	sadd.s32 $0x780, s26;
	[sflag:s14] =	ssyncadd.s32 $0xFFFF6000  }
0x91: {  	[tilespmem:s21], [sflag:$0x2] =	stream.indirect.gather [hbm4b:s3+s11], $0x40, s29, s11, $0xb8;
	[tilespmem:$0x1A400] =	vst v63  }
0x92: {  	s29 =	sadd.s32 $0x800, s26  }
0x93: {  	[tilespmem:s23], [sflag:$0x2] =	stream.indirect.gather [hbm4b:s3+s11], $0x40, s29, s11, $0xb8;
	[tilespmem:$0x1A400] =	vst v63  }
0x94: {  	s29 =	sadd.s32 $0x880, s26  }
0x95: {  	[tilespmem:s25], [sflag:$0x2] =	stream.indirect.gather [hbm4b:s3+s11], $0x40, s29, s11, $0xb8;
	[tilespmem:$0x1A400] =	vst v63  }
0x96: {  	s29 =	sadd.s32 $0x900, s26  }
0x97: {  	[tilespmem:s28], [sflag:$0x2] =	stream.indirect.gather [hbm4b:s3+s11], $0x40, s29, s11, $0xb8;
	[tilespmem:$0x1A400] =	vst v63  }
0x98: {  	s26 =	sadd.s32 $0x980, s26  }
0x99: {  	[tilespmem:s30], [sflag:$0x2] =	stream.indirect.gather [hbm4b:s3+s11], $0x40, s26, s11, $0xb8;
	[tilespmem:$0x1A400] =	vst v63  }
0x9a: {  	_ =	swait.ge [sflag:s31], $0x2000  }
0x9b: {  	[sflag:s31] =	ssyncset.done $0x0  }
0x9c: {  	[sflag:s31] =	ssyncadd.s32 $0xFFFFE000  }
0x9d: {  	_ =	swait.ge [sflag:s31], $0x2000  }
0x9e: {  	[sflag:s31] =	ssyncset.done $0x0  }
0x9f: {  	[sflag:s31] =	ssyncadd.s32 $0xFFFFE000  }
0xa0: {  	_ =	swait.ge [sflag:s31], $0x2000  }
0xa1: {  	[sflag:s31] =	ssyncset.done $0x0  }
0xa2: {  	[sflag:s31] =	ssyncadd.s32 $0xFFFFE000  }
0xa3: {  	_ =	swait.ge [sflag:s31], $0x2000  }
.Ltmp0:
0xa4: {  	[sflag:s31] =	ssyncset.done $0x0;
	(pc) =	sbr.rel @p0 .LBB2_2-.Ltmp0, $4  }
0xa5: {  	[sflag:s31] =	ssyncadd.s32 $0xFFFFE000  }
0xa6: {  	_ =	swait.ge [sflag:s31], $0x2000  }
0xa7: {  	[sflag:s31] =	ssyncset.done $0x0  }
0xa8: {  	s22 =	sadd.s32 $0x2800, s22;
	s20 =	sadd.s32 $0x2800, s20;
	[sflag:s31] =	ssyncadd.s32 $0xFFFFE000  }
0xa9: {  	[hbm4b:s9+s2] =	stream.linear.scatter [tilespmem:s12], [sflag:$0x3], $0xA000, $0x38;
	[tilespmem:$0x1A400] =	vst v63  }
0xaa: {  	_ =	swait.ge [sflag:s0], $0x2000  }
0xab: {  	[sflag:s0] =	ssyncset.done $0x0  }
0xac: {  	[sflag:s0] =	ssyncadd.s32 $0xFFFFE000  }
0xad: {  	_ =	swait.ge [sflag:s0], $0x2000  }
0xae: {  	[sflag:s0] =	ssyncset.done $0x0  }
0xaf: {  	[sflag:s0] =	ssyncadd.s32 $0xFFFFE000  }
0xb0: {  	_ =	swait.ge [sflag:s0], $0x2000  }
0xb1: {  	[sflag:s0] =	ssyncset.done $0x0  }
0xb2: {  	[sflag:s0] =	ssyncadd.s32 $0xFFFFE000  }
0xb3: {  	_ =	swait.ge [sflag:s0], $0x2000  }
0xb4: {  	[sflag:s0] =	ssyncset.done $0x0  }
0xb5: {  	[sflag:s0] =	ssyncadd.s32 $0xFFFFE000  }
0xb6: {  	_ =	swait.ge [sflag:s0], $0x2000  }
0xb7: {  	[sflag:s0] =	ssyncset.done $0x0  }
0xb8: {  	s16 =	sadd.s32 $0x1, s16;
	[sflag:s0] =	ssyncadd.s32 $0xFFFFE000  }
0xb9: {  	[hbm4b:s6+s2] =	stream.linear.scatter [tilespmem:s21], [sflag:$0x4], $0xA000, $0x38;
	[tilespmem:$0x1A400] =	vst v63  }
0xba: {  	p0 =	sne.s32 s16, s7;
	_ =	swait.ge [sflag:s1], $0xA000  }
.Ltmp1:
0xbb: {  	[sflag:s1] =	ssyncset.done $0x0;
	(pc) =	sbr.rel @p0 .LBB2_1-.Ltmp1, $4  }
0xbc: {  	[sflag:s1] =	ssyncadd.s32 $0xFFFF6000  }
0xbd: {  	_ =	swait.ge [sflag:s14], $0xA000  }
0xbe: {  	[sflag:s14] =	ssyncset.done $0x0  }
0xbf: {  	[sflag:s14] =	ssyncadd.s32 $0xFFFF6000  }
0xc0: {  	_ =	sfence.sel $0x180000  }
0xc1: {  	[bflag:$0x0] =	sbarrier.arrive $0xFFFF  }
0xc2: {  	_ =	strace $0x90000047  }
0xc3: {  	s0 =	stileid.u32;
	[bflag:$0x2] =	sbarrier.arrive $0xFFFF  }
0xc4: {  	p0 =	sne.s32 s0, $0x0;
	s0 =	rddreg [dreg:$0x2]  }
0xc5: {  	s0 =	sadd.s32 @!p0 $0x100000, s0  }
0xc6: {  	[sflag:s0] =	ssyncadd.tile.s32 @!p0 $0x1;
	_ =	shalt  }
.Lfunc_end2:
_tile_overlayer_lowered:
.L_overlay_start_2:
0xc7: {  	(tag) =	ssettag $0x2  }
0xc8: {  	s0 =	rddreg [dreg:$0x0];
	s2 =	stileid.u32  }
0xc9: {  	s1 =	rddreg [dreg:$0x1];
	p0 =	sne.s32 s2, $0x0  }
0xca: {  	s3 =	rddreg [dreg:$0x2];
	[bflag:$0x3] =	sbarrier.arrive $0xFFFF;
	s2 =	simm.s32 @!p0 $0x1C06  }
0xcb: {  	[timem:s3], [sflag:s2] =	dma.local @!p0 [hbm:s0], s1  }
0xcc: {  	s0 =	simm.s32 @!p0 $0x6  }
0xcd: {  	_ =	swait.ge @!p0 [sflag:s0], s1  }
0xce: {  	s1 =	ssub.s32 @!p0 $0x0, s1;
	[sflag:s0] =	ssyncset.done @!p0 $0x0  }
0xcf: {  	[sflag:s0] =	ssyncadd.s32 @!p0 s1  }
0xd0: {  	[bflag:$0x3] =	sbarrier.arrive $0xFFFF  }
0xd1: {  	_ =	shalt  }

// kernel: sparse-core-data-format-call.cloned.1.call-start
scs
called_computation_lowered:
.L_overlay_start_0:
0x0: {  	s2 =	sld [smem:$0x3FD9]  }
0x1: {  	s3 =	sld [smem:$0x3FFE];
	_ =	sdelay $0x1  }
0x2: {  	s1 =	srdreg.scid  }
0x3: {  	s0 =	sand.u32 $0x1, s1  }
0x4: {  	s18 =	sshll.u32 s0, $0xA;
	s2 =	sadd.s32 s3, s2  }
0x5: {  	s2 =	sadd.s32 s2, s18  }
0x6: {  	[smem:$0x3FC6] =	sst s2  }
0x7: {  	_ = 	snop  }
0x8: {  	s2 =	sld [smem:$0x3FD0];
	(tm) =	ssettm $0x1  }
0x9: {  	s19 =	sld [smem:$0x3FFB];
	_ =	sdelay $0x3  }
0xa: {  	_ =	strace s19  }
0xb: {  	s3 =	sld [smem:$0x3FFC];
	_ =	sdelay $0x3  }
0xc: {  	_ =	strace s3  }
0xd: {  	s3 =	sld [smem:$0x3FFD];
	_ =	sdelay $0x3  }
0xe: {  	_ =	strace s3  }
0xf: {  	_ =	strace $0x8FFFFFFF  }
0x10: {  	s20 =	sld [smem:$0x3FDB];
	_ =	sdelay $0x1  }
0x11: {  	s4 =	simm.s32 $_scs_section_size  }
0x12: {  	s5 =	simm.s32 $_size__tile_overlayer_lowered;
	s6 =	simm.s32 $_tile_overlayer_lowered  }
0x13: {  	s23 =	simm.s32 $0x1BFF;
	s22 =	sshll.u32 s6, $0x1;
	s3 =	sadd.s32 s4, s20  }
0x14: {  	s7 =	simm.s32 $0x0;
	s21 =	sshll.u32 s5, $0x1;
	s5 =	sadd.s32 s22, s3  }
0x15: {  	[timem:s7], [sflag:s23] =	dma.local [hbm:s5], s21  }
0x16: {  	_ =	swait.ge [sflag:s23], s21  }
0x17: {  	s4 =	ssub.s32 $0x0, s21;
	[sflag:s23] =	ssyncset.done $0x0  }
0x18: {  	[sflag:s23] =	ssyncadd.s32 s4;
	_ =	sdelay $0x1  }
0x19: {  	s24 =	simm.s32 $0x1B8B  }
0x1a: {  	_ =	swait.ge [sflag:s24], $0x1  }
0x1b: {  	[sflag:s24] =	ssyncset.done $0x0  }
0x1c: {  	s26 =	simm.s32 $0x1B8E;
	s25 =	sld [smem:$0x3FFE];
	[sflag:s24] =	ssyncadd.s32 $0xFFFFFFFF  }
0x1d: {  	s27 =	simm.s32 $execute0_lowered;
	[smem:$0x3FD2] =	sst s26  }
0x1e: {  	s5 =	sshll.u32 s27, $0x1;
	_ =	strace $0x80000049;
	[dreg:$0x1] =	wrdreg $0xFFFFFFFF  }
0x1f: {  	s28 =	simm.s32 $_size_execute0_lowered;
	s3 =	sadd.s32 s3, s5;
	[dreg:$0x0] =	wrdreg $0x0  }
0x20: {  	s5 =	sshll.u32 s28, $0x1;
	[dreg:$0x2] =	wrdreg s3  }
0x21: {  	[dreg:$0x3] =	wrdreg s5  }
0x22: {  	[dreg:$0x4] =	wrdreg $0xC0  }
0x23: {  	_ =	task [dreg:s7], $0x5FFFF  }
0x24: {  	[dreg:$0x1] =	wrdreg $0xFFFFFFFF  }
0x25: {  	[dreg:$0x0] =	wrdreg $0x60  }
0x26: {  	[dreg:$0x2] =	wrdreg s25  }
0x27: {  	[dreg:$0x3] =	wrdreg s2  }
0x28: {  	[dreg:$0x4] =	wrdreg $0x9  }
0x29: {  	_ =	task.clear_ibuf [dreg:s7], $0x5FFFF;
	_ =	strace $0x90000049  }
0x2a: {  	s29 =	simm.s32 $0x9;
	_ =	strace $0x8000004B  }
0x2b: {  	_ =	swait.ge [sflag:s29], $0x1  }
0x2c: {  	[sflag:s29] =	ssyncadd.s32 $0xFFFFFFFF  }
0x2d: {  	_ =	strace $0x9000004B  }
0x2e: {  	_ =	sfence  }
0x2f: {  	s30 =	sld [smem:$0x0];
	_ =	sdelay $0x2  }
0x30: {  	s31 =	sshll.u32 s1, $0xD;
	s1 =	sshrl.u32 s1, $0x2  }
0x31: {  	s3 =	sand.u32 $0x4000, s31;
	s1 =	sadd.s32 s1, s30  }
0x32: {  	s0 =	sor.u32 s3, s0;
	s1 =	sshll.u32 s1, $0x11  }
0x33: {  	s0 =	sor.u32 s1, s0  }
0x34: {  	s0 =	sadd.s32 $0x8F2B, s0  }
0x35: {  	[sflag:s0] =	ssyncadd.remote.s32 $0x1  }
0x36: {  	_ =	sfence.sel $0xFFFF  }
0x37: {  	[dreg:$0x0] =	wrdreg $0xFFFFFFFF;
	(pc) =	sbr.abs _section_cstart, $3  }
0x38: {  	[dreg:$0x1] =	wrdreg $0xFFFFFFFF  }
0x39: {  	_ =	task.clear_ibuf [dreg:s7], $0x2FFFF;
	_ =	strace $0x9FFFFFFF  }
0x3a: {  	(tm) =	ssettm $0x7FFFFFFF  }
0x3b: {  	_ =	shalt  }
tec
execute0_lowered:
.L_overlay_start_1:
0x0: {  	(tag) =	ssettag $0x1  }
0x1: {  	s0 =	srdreg.scid  }
0x2: {  	s1 =	sshll.u32 s0, $0x4  }
0x3: {  	s0 =	stileid.u32;
	s1 =	sand.u32 $0x10, s1  }
0x4: {  	s1 =	sor.u32 s0, s1  }
0x5: {  	s6 =	rddreg [dreg:$0x0];
	s4 =	simm.s32 $0x1;
	s2 =	sshll.u32 s1, $0x7  }
0x6: {  	s7 =	simm.s32 $0x2;
	s12 =	simm.s32 $0x0;
	s1 =	ssub.s32 $0x4000, s2  }
0x7: {  	s8 =	simm.s32 $0x20000;
	s13 =	simm.s32 $0x0;
	s3 =	sand.u32 $0xF80, s1  }
0x8: {  	s9 =	simm.s32 $0x0;
	s5 =	sshrl.u32 s1, $0xC;
	p0 =	sne.s32 s3, $0x0  }
.Ltmp0:
0x9: {  	s1 =	rddreg [dreg:$0x2];
	s4 =	simm.s32 @!p0 $0x0;
	(pc) =	sbr.rel .LBB1_1-.Ltmp0, $4  }
0xa: {  	s11 =	simm.s32 $0x0;
	s3 =	rddreg [dreg:$0x1];
	s5 =	sadd.s32 s4, s5  }
0xb: {  	_ =	strace $0x8000004A;
	s4 =	simm.s32 $0x1;
	s5 =	smul.u32 $0x32, s5  }
0xc: {  	s6 =	sadd.s32 $0xA00, s6;
	s10 =	smov.u32 s2;
	[sflag:s4] =	ssyncpa.u1 $0x0  }
0xd: {  	p0 =	por $0x0, $0x0;
	[sflag:s7] =	ssyncpa.u1 $0x0;
	s7 =	sor.u32 $0x1, s5  }
.LBB1_4:
0xe: {  	s16 =	sshll.u32 s13, $0x3;
	s17 =	sand.u32 $0x78, s13  }
0xf: {  	s30 =	sand.u32 $0x1F800, s13;
	s12 =	sshll.u32 s12, $0x11;
	s16 =	sand.u32 $0x3C00, s16  }
0x10: {  	[tilespmem:s15+$0x810 ss:$0x81] =	vst.msk $0xffff, v2;
	s31 =	sand.u32 $0x7, s13;
	s16 =	sor.u32 s17, s16;
	s17 =	sadd.s32 s3, s30  }
0x11: {  	[tilespmem:s15+$0x1020 ss:$0x81] =	vst.msk $0xffff, v0;
	s13 =	sshll.u32 s31, $0x12;
	s12 =	sadd.s32 s12, s17;
	s16 =	sshrl.u32 s16, $0x3  }
0x12: {  	[tilespmem:s15+$0x0 ss:$0x81] =	vst.msk $0xffff, v1;
	s13 =	sor.u32 $0x400, s13;
	s12 =	sadd.s32 s16, s12  }
0x13: {  	[hbm4b:s12+s13] =	stream.strided.scatter [tilespmem:s14], [sflag:$0x2], $0x2000, s8, s13, $0x20;
	[tilespmem:$0x8080] =	vst v63  }
.LBB1_5:
0x14: {  	s14 =	sadd.s32 $0x1, s9  }
0x15: {  	s12 =	sadd.s32 $0x1000, s10;
	s16 =	smov.u32 s10;
	p2 =	sgt.s32 s14, $0x31  }
0x16: {  	s16 =	smov.u32 @p2 s12  }
0x17: {  	s14 =	simm.s32 @p2 $0x0;
	p2 =	sgt.s32 s16, $0x3FFF  }
0x18: {  	s16 =	smov.u32 @p2 s2;
	p2 =	sne.s32 s11, s7  }
.Ltmp1:
0x19: {  	p1 =	slt.u32 s11, $0x2;
	(pc) =	sbr.rel @!p2 .LBB1_6-.Ltmp1, $4  }
0x1a: {  	s15 =	simm.s32 @!p1 $0x2  }
0x1b: {  	s13 =	smov.u32 s10;
	p0 =	por !p0, !p0;
	_ =	swait.ge @!p1 [sflag:s15], $0x2000  }
0x1c: {  	s12 =	smov.u32 s9;
	[sflag:s15] =	ssyncset.done @!p1 $0x0;
	s9 =	smov.u32 s14  }
0x1d: {  	s11 =	sadd.s32 $0x1, s11;
	[sflag:s15] =	ssyncadd.s32 @!p1 $0xFFFFE000;
	s10 =	smov.u32 s16  }
.LBB1_1:
0x1e: {  	p1 =	sge.u32 s11, s5  }
0x1f: {  	s14 =	sand.u32 @!p1 $0x1FFFFFF, s9  }
0x20: {  	s15 =	smulhi.u32 @!p1 $0x4924925, s14;
	_ =	sdelay $0x1  }
0x21: {  	s15 =	smul.u32 @!p1 $0x38, s15  }
0x22: {  	s16 =	sxor.u32 @!p1 $0xFFFFFFFF, s11;
	s17 =	smul.u32 @!p1 $0x380, s10  }
0x23: {  	s31 =	sadd.s32 $0xFFFFFFFF, s11;
	s16 =	sshll.u32 @!p1 s16, $0xD;
	s14 =	ssub.s32 @!p1 s14, s15  }
0x24: {  	s15 =	sand.u32 @!p1 $0x2000, s16;
	s16 =	sadd.s32 @!p1 s6, s17;
	s14 =	sshll.u32 @!p1 s14, $0x4  }
0x25: {  	s17 =	simm.s32 @!p1 $0x1C00;
	s14 =	sadd.s32 @!p1 s14, s16;
	s16 =	simm.s32 @!p1 $0x40  }
0x26: {  	[tilespmem:s15], [sflag:$0x1] =	stream.strided.gather @!p1 [hbm4b:s14+s16], $0x2000, s17, s16, $0x38;
	[tilespmem:$0x8080] =	vst v63  }
0x27: {  	p1 =	sge.u32 s31, s5  }
.Ltmp2:
0x28: {  	_ = 	snop;
	(pc) =	sbr.rel @p1 .LBB1_5-.Ltmp2, $1  }
0x29: {  	_ =	sdelay $0x3  }
0x2a: {  	s14 =	simm.s32 $0x1  }
0x2b: {  	_ =	swait.ge [sflag:s4], $0x2000;
	s14 =	simm.s32 @!p0 $0x0  }
0x2c: {  	[sflag:s4] =	ssyncset.done $0x0;
	s15 =	sshll.u32 s14, $0xD  }
0x2d: {  	[sflag:s4] =	ssyncadd.s32 $0xFFFFE000;
	s18 =	sor.u32 $0x20, s15  }
0x2e: {  	s14 =	smul.u32 $0x8100, s14;
	v3 =	vld [tilespmem:s18+$0x10]  }
0x2f: {  	s30 =	sand.u32 $0x1, s11;
	v2 =	vld [tilespmem:s18+$0xFFFFFFF0]  }
0x30: {  	s15 =	smul.u32 $0x8100, s30;
	s14 =	sshrl.u32 s14, $0x2;
	v0 =	vld [tilespmem:s18+$0x0]  }
0x31: {  	v1 =	vld [tilespmem:s18+$0xFFFFFFE0];
	s16 =	sor.u32 $0x4000, s14  }
0x32: {  	s31 =	sshrl.u32 s15, $0x2;
	s15 =	sadd.s32 $0x0, s16  }
0x33: {  	s17 =	simm.s32 $0x4;
	s18 =	sadd.s32 $0x40, s18;
	s14 =	sor.u32 $0x4000, s31;
	[tilespmem:s15+$0x1830 ss:$0x81] =	vst.msk $0xffff, v3  }
.LBB1_3:
0x34: {  	v3 =	vld [tilespmem:s18+$0x10];
	p1 =	sne.s32 s17, $0x1FC;
	[tilespmem:s15+$0x810 ss:$0x81] =	vst.msk $0xffff, v2;
	s19 =	smov.u32 s17;
	s17 =	sadd.s32 $0x4, s17  }
.Ltmp3:
0x35: {  	v2 =	vld [tilespmem:s18+$0xFFFFFFF0];
	[tilespmem:s15+$0x1020 ss:$0x81] =	vst.msk $0xffff, v0;
	(pc) =	sbr.rel @p1 .LBB1_3-.Ltmp3, $4  }
0x36: {  	v0 =	vld [tilespmem:s18+$0x0];
	[tilespmem:s15+$0x0 ss:$0x81] =	vst.msk $0xffff, v1  }
0x37: {  	s15 =	sshra.s32 s19, $0x2;
	v1 =	vld [tilespmem:s18+$0xFFFFFFE0]  }
0x38: {  	s15 =	sadd.s32 s15, s16  }
0x39: {  	s18 =	sadd.s32 $0x40, s18;
	[tilespmem:s15+$0x1830 ss:$0x81] =	vst.msk $0xffff, v3  }
.Ltmp4:
0x3a: {  	_ = 	snop;
	(pc) =	sbr.rel .LBB1_4-.Ltmp4, $1  }
0x3b: {  	_ =	sdelay $0x3  }
.LBB1_6:
0x3c: {  	_ =	sfence.sel $0x180000  }
0x3d: {  	s2 =	simm.s32 $0x1;
	[bflag:$0x0] =	sbarrier.arrive $0xFFFF  }
0x3e: {  	s31 =	simm.s32 $0x2;
	[sflag:s2] =	ssyncpa.u1 $0x1  }
0x3f: {  	[sflag:s31] =	ssyncpa.u1 $0x1  }
0x40: {  	p0 =	sne.s32 s0, $0x0;
	_ =	strace $0x9000004A  }
0x41: {  	s0 =	sadd.s32 @!p0 $0x100000, s1;
	[bflag:$0x2] =	sbarrier.arrive $0xFFFF  }
0x42: {  	[sflag:s0] =	ssyncadd.tile.s32 @!p0 $0x1;
	_ =	shalt  }
.Lfunc_end1:
_tile_overlayer_lowered:
.L_overlay_start_2:
0x43: {  	(tag) =	ssettag $0x2  }
0x44: {  	s0 =	rddreg [dreg:$0x0];
	s2 =	stileid.u32  }
0x45: {  	s1 =	rddreg [dreg:$0x1];
	p0 =	sne.s32 s2, $0x0  }
0x46: {  	s3 =	rddreg [dreg:$0x2];
	[bflag:$0x3] =	sbarrier.arrive $0xFFFF;
	s2 =	simm.s32 @!p0 $0x1C01  }
0x47: {  	[timem:s3], [sflag:s2] =	dma.local @!p0 [hbm:s0], s1  }
0x48: {  	s0 =	simm.s32 @!p0 $0x1  }
0x49: {  	_ =	swait.ge @!p0 [sflag:s0], s1  }
0x4a: {  	s1 =	ssub.s32 @!p0 $0x0, s1;
	[sflag:s0] =	ssyncset.done @!p0 $0x0  }
0x4b: {  	[sflag:s0] =	ssyncadd.s32 @!p0 s1  }
0x4c: {  	[bflag:$0x3] =	sbarrier.arrive $0xFFFF  }
0x4d: {  	_ =	shalt  }

</sc_bundles>
